<compile_context>
chip_gen: v7x
topology: tpu7x:2x2x1
jax: 0.10.2.dev20260603
libtpu: 0.0.44.dev20260713+nightly
codegen_flags: <defaults>
</compile_context>

<pallas_src>
import jax
import jax.numpy as jnp
from jax import lax
from jax.experimental import pallas as pl
from jax.experimental.pallas import tpu as pltpu
from jax.experimental.pallas import tpu_sc as plsc

NC = 2
NS = 16
_CMSG = 2000


def _msg_body(u_hbm, eidx, acc_out, gidx_v, sidx_v, rows_v, sem,
              shared_u, shared_acc):
    d = lax.axis_index("c")
    s = lax.axis_index("s")
    N = u_hbm.shape[1]
    E = eidx.shape[0] // 2
    C = gidx_v.shape[0]

    chunk = ((N // NS) + 7) // 8 * 8
    last = N - chunk * (NS - 1)

    @pl.when(s < NS - 1)
    def _():
        r0 = pl.multiple_of(s * chunk, 8)
        pltpu.sync_copy(u_hbm.at[d, pl.ds(r0, chunk), :],
                        shared_u.at[pl.ds(r0, chunk), :])
        pltpu.sync_copy(u_hbm.at[d, pl.ds(r0, chunk), :],
                        shared_acc.at[pl.ds(r0, chunk), :])

    @pl.when(s == NS - 1)
    def _():
        r0 = chunk * (NS - 1)
        pltpu.sync_copy(u_hbm.at[d, pl.ds(r0, last), :],
                        shared_u.at[pl.ds(r0, last), :])
        pltpu.sync_copy(u_hbm.at[d, pl.ds(r0, last), :],
                        shared_acc.at[pl.ds(r0, last), :])

    plsc.subcore_barrier()

    per_sub = E // NS

    def body(i, carry):
        gbase = pl.multiple_of(d * E + s * per_sub + i * C, 8)
        sbase = pl.multiple_of((1 - d) * E + s * per_sub + i * C, 8)
        pltpu.sync_copy(eidx.at[pl.ds(gbase, C)], gidx_v)
        pltpu.sync_copy(eidx.at[pl.ds(sbase, C)], sidx_v)
        pltpu.async_copy(shared_u.at[gidx_v], rows_v, sem).wait()
        pltpu.sync_copy(rows_v, shared_acc.at[sidx_v], add=True)
        return carry

    lax.fori_loop(0, per_sub // C, body, 0)
    plsc.subcore_barrier()

    @pl.when(s < NS - 1)
    def _():
        r0 = pl.multiple_of(s * chunk, 8)
        pltpu.sync_copy(shared_acc.at[pl.ds(r0, chunk), :],
                        acc_out.at[d, pl.ds(r0, chunk), :])

    @pl.when(s == NS - 1)
    def _():
        r0 = chunk * (NS - 1)
        pltpu.sync_copy(shared_acc.at[pl.ds(r0, last), :],
                        acc_out.at[d, pl.ds(r0, last), :])


def _msg_call(N, K):
    mesh = plsc.VectorSubcoreMesh(core_axis_name="c", subcore_axis_name="s")
    return pl.kernel(
        _msg_body,
        out_type=jax.ShapeDtypeStruct((NC, N, K), jnp.float32),
        mesh=mesh,
        compiler_params=pltpu.CompilerParams(use_tc_tiling_on_sc=False),
        scratch_types=[
            pltpu.VMEM((_CMSG,), jnp.int32),
            pltpu.VMEM((_CMSG,), jnp.int32),
            pltpu.VMEM((_CMSG, K), jnp.float32),
            pltpu.SemaphoreType.DMA,
            pltpu.VMEM_SHARED((N, K), jnp.float32),
            pltpu.VMEM_SHARED((N, K), jnp.float32),
        ],
    )


def _dense_body(xt_ref, deg_ref, g_ref, bt_ref, wc_ref, ut_ref, dis_ref):
    K, Nn = xt_ref.shape
    xr = jnp.maximum(xt_ref[...], 0.0)
    mean = jnp.mean(xr, axis=1, keepdims=True)
    var = jnp.mean((xr - mean) ** 2, axis=1, keepdims=True)
    y = (xr - mean) * lax.rsqrt(var + 1e-5) * g_ref[...] + bt_ref[...]
    ut = lax.dot_general(wc_ref[...], y, (((0,), (0,)), ((), ())),
                         preferred_element_type=jnp.float32)
    dis = lax.rsqrt(deg_ref[...])
    scale = jnp.concatenate([jnp.broadcast_to(dis[0:1], (K, Nn)),
                             jnp.broadcast_to(dis[1:2], (K, Nn))], axis=0)
    ut_ref[...] = ut * scale
    dis_ref[...] = dis


def _dense_call(N, K):
    return pl.pallas_call(
        _dense_body,
        out_shape=[
            jax.ShapeDtypeStruct((2 * K, N), jnp.float32),
            jax.ShapeDtypeStruct((NC, N), jnp.float32),
        ],
    )


def _final_body(acc_ref, dis_ref, bc_ref, out_ref):
    K = acc_ref.shape[1]
    dis = dis_ref[...]
    in_t = dis[0:1] * acc_ref[0] + bc_ref[0:K]
    out_t = dis[1:2] * acc_ref[1] + bc_ref[K:2 * K]
    out_ref[...] = jnp.concatenate([in_t, out_t], axis=0)


def _final_call(N, K):
    return pl.pallas_call(
        _final_body,
        out_shape=jax.ShapeDtypeStruct((2 * K, N), jnp.float32),
    )


def kernel(x, edge_index, gamma, beta, W_in, b_in, W_out, b_out):
    N, K = x.shape
    E = edge_index.shape[1]
    assert N % 8 == 0 and E % (NS * _CMSG) == 0

    eflat = edge_index.reshape(NC * E)
    ones3 = jnp.ones((NC, N, 1), jnp.float32)
    deg = _msg_call(N, 1)(ones3, eflat).reshape(NC, N)
    xt = x.T
    Wc = jnp.concatenate([W_in, W_out], axis=1)
    ut, dis = _dense_call(N, K)(xt, deg, gamma.reshape(K, 1),
                                beta.reshape(K, 1), Wc)
    u = jnp.transpose(ut.reshape(NC, K, N), (0, 2, 1))
    acc = _msg_call(N, K)(u, eflat)
    acc_t = jnp.transpose(acc, (0, 2, 1))
    bc = jnp.concatenate([b_in, b_out]).reshape(2 * K, 1)
    out_t = _final_call(N, K)(acc_t, dis, bc)
    return out_t.T

# --- scband reference (transcript-rebuilt; emitter-appended) ---
"""Pipeline reference for scband-conv-layer-32272384262229 (READ-ONLY COPY).

The authoritative reference and input builder live on the scoring server;
editing this copy changes nothing except your own understanding.
"""

import jax, jax.numpy as jnp
import numpy as np

K = 8
N = 100000
E = 3200000


def _gcn(x, edge_index, W, b, flow_s2t):
    Nn = x.shape[0]
    xw = x @ W
    loop = jnp.arange(Nn, dtype=edge_index.dtype)
    row = jnp.concatenate([edge_index[0], loop])
    col = jnp.concatenate([edge_index[1], loop])
    ew = jnp.ones(row.shape[0], dtype=x.dtype)
    # gcn_norm: idx = col for source_to_target, row for target_to_source
    idx = col if flow_s2t else row
    deg = jax.ops.segment_sum(ew, idx, num_segments=Nn)
    dis = jnp.where(deg > 0, 1.0 / jnp.sqrt(deg), 0.0)
    norm = dis[row] * dis[col]
    if flow_s2t:
        msg = norm[:, None] * xw[row]
        out = jax.ops.segment_sum(msg, col, num_segments=Nn)
    else:
        msg = norm[:, None] * xw[col]
        out = jax.ops.segment_sum(msg, row, num_segments=Nn)
    return out + b


def setup_inputs(seed: int = 0) -> dict:
    key = jax.random.key(seed)
    ks = jax.random.split(key, 6)
    x = jax.random.normal(ks[0], (N, K), dtype=jnp.float32)
    edge_index = jax.random.randint(ks[1], (2, E), 0, N, dtype=jnp.int32)
    gamma = jnp.ones((K,), dtype=jnp.float32)
    beta = jnp.zeros((K,), dtype=jnp.float32)
    s = 1.0 / np.sqrt(K)
    W_in = jax.random.uniform(ks[2], (K, K), dtype=jnp.float32, minval=-s, maxval=s)
    b_in = jnp.zeros((K,), dtype=jnp.float32)
    W_out = jax.random.uniform(ks[3], (K, K), dtype=jnp.float32, minval=-s, maxval=s)
    b_out = jnp.zeros((K,), dtype=jnp.float32)
    return {"x": x, "edge_index": edge_index, "gamma": gamma, "beta": beta,
            "W_in": W_in, "b_in": b_in, "W_out": W_out, "b_out": b_out}


def reference(x, edge_index, gamma, beta, W_in, b_in, W_out, b_out):
    # forward of ConvLayer
    x = jax.nn.relu(x)
    # BatchNorm1d in training mode: batch statistics, biased variance
    mean = jnp.mean(x, axis=0)
    var = jnp.var(x, axis=0)
    x = (x - mean) / jnp.sqrt(var + 1e-5) * gamma + beta
    in_x = _gcn(x, edge_index, W_in, b_in, flow_s2t=True)
    out_x = _gcn(x, edge_index, W_out, b_out, flow_s2t=False)
    return jnp.concatenate((in_x, out_x), axis=1)

if __name__ == "__main__":
    import jax
    _d = setup_inputs()
    print(jax.jit(kernel)(*tuple(_d.values())))

</pallas_src>

<mosaic_0001>
#map = affine_map<(d0, d1) -> (0, 0, 0)>
#map1 = affine_map<(d0, d1) -> (0)>
module attributes {stable_mosaic.version = 14 : i64} {
  func.func @_msg_body(%arg0: i32, %arg1: i32, %arg2: memref<2x100000x8xf32, #tpu.memory_space<hbm>>, %arg3: memref<6400000xi32, #tpu.memory_space<hbm>>, %arg4: memref<2x100000x8xf32, #tpu.memory_space<hbm>>, %arg5: memref<2000xi32, #tpu.memory_space<vmem>>, %arg6: memref<2000xi32, #tpu.memory_space<vmem>>, %arg7: memref<2000x8xf32, #tpu.memory_space<vmem>>, %arg8: memref<!tpu.dma_semaphore, #tpu.memory_space<semaphore_mem>>, %arg9: memref<100000x8xf32, #tpu.memory_space<vmem_shared>>, %arg10: memref<100000x8xf32, #tpu.memory_space<vmem_shared>>) attributes {dimension_semantics = [#tpu.dimension_semantics<core_parallel>, #tpu.dimension_semantics<subcore_parallel>], iteration_bounds = array<i64: 2, 16>, scalar_prefetch = 0 : i64, scratch_operands = 6 : i64, tpu.core_type = #tpu.core_type<sc_vector_subcore>, window_params = [{transform_indices = #map}, {transform_indices = #map1}, {transform_indices = #map}]} {
    %lt3A = arith.constant 15 : i32
    %lt3A_0 = arith.cmpi slt, %arg1, %lt3A : i32
    %convert_element_type3A = arith.extui %lt3A_0 : i1 to i32
    %cond3A = arith.constant 0 : i32
    %cond3A_1 = arith.cmpi ne, %convert_element_type3A, %cond3A : i32
    scf.if %cond3A_1 {
      %mul3A = arith.constant 6256 : i32
      %mul3A_22 = arith.muli %arg1, %mul3A : i32
      %multiple_of3A = tpu.assume_multiple %mul3A_22, 8 : i32
      "tpu.region"() ({
        %run_scoped3A = tpu.sem_alloc : memref<!tpu.dma_semaphore, #tpu.memory_space<semaphore_mem>>
        %dma_start3A = arith.constant 0 : i32
        %dma_start3A_23 = tpu.memref_slice %arg9[%multiple_of3A, %dma_start3A] : memref<100000x8xf32, #tpu.memory_space<vmem_shared>> -> memref<6256x8xf32, #tpu.memory_space<vmem_shared>>
        %dma_start3A_24 = arith.constant 0 : i32
        %dma_start3A_25 = tpu.memref_slice %arg2[%arg0, %multiple_of3A, %dma_start3A_24] : memref<2x100000x8xf32, #tpu.memory_space<hbm>> -> memref<1x6256x8xf32, #tpu.memory_space<hbm>>
        %dma_start3A_26 = tpu.memref_squeeze %dma_start3A_25 : memref<1x6256x8xf32, #tpu.memory_space<hbm>> -> memref<6256x8xf32, #tpu.memory_space<hbm>>
        tpu.enqueue_dma source(%dma_start3A_26 : memref<6256x8xf32, #tpu.memory_space<hbm>>) target(%dma_start3A_23 : memref<6256x8xf32, #tpu.memory_space<vmem_shared>>) target_semaphore(%run_scoped3A : memref<!tpu.dma_semaphore, #tpu.memory_space<semaphore_mem>>)
        %dma_wait3A = arith.constant 0 : i32
        %dma_wait3A_27 = tpu.memref_slice %arg9[%multiple_of3A, %dma_wait3A] : memref<100000x8xf32, #tpu.memory_space<vmem_shared>> -> memref<6256x8xf32, #tpu.memory_space<vmem_shared>>
        %dma_wait3A_28 = arith.constant 0 : i32
        %dma_wait3A_29 = tpu.memref_slice %arg2[%arg0, %multiple_of3A, %dma_wait3A_28] : memref<2x100000x8xf32, #tpu.memory_space<hbm>> -> memref<1x6256x8xf32, #tpu.memory_space<hbm>>
        %dma_wait3A_30 = tpu.memref_squeeze %dma_wait3A_29 : memref<1x6256x8xf32, #tpu.memory_space<hbm>> -> memref<6256x8xf32, #tpu.memory_space<hbm>>
        tpu.wait_dma2 semaphore(%run_scoped3A : memref<!tpu.dma_semaphore, #tpu.memory_space<semaphore_mem>>) src(%dma_wait3A_30 : memref<6256x8xf32, #tpu.memory_space<hbm>>) dst(%dma_wait3A_27 : memref<6256x8xf32, #tpu.memory_space<vmem_shared>>)
        tpu.yield
      }) : () -> ()
      "tpu.region"() ({
        %run_scoped3A = tpu.sem_alloc : memref<!tpu.dma_semaphore, #tpu.memory_space<semaphore_mem>>
        %dma_start3A = arith.constant 0 : i32
        %dma_start3A_23 = tpu.memref_slice %arg10[%multiple_of3A, %dma_start3A] : memref<100000x8xf32, #tpu.memory_space<vmem_shared>> -> memref<6256x8xf32, #tpu.memory_space<vmem_shared>>
        %dma_start3A_24 = arith.constant 0 : i32
        %dma_start3A_25 = tpu.memref_slice %arg2[%arg0, %multiple_of3A, %dma_start3A_24] : memref<2x100000x8xf32, #tpu.memory_space<hbm>> -> memref<1x6256x8xf32, #tpu.memory_space<hbm>>
        %dma_start3A_26 = tpu.memref_squeeze %dma_start3A_25 : memref<1x6256x8xf32, #tpu.memory_space<hbm>> -> memref<6256x8xf32, #tpu.memory_space<hbm>>
        tpu.enqueue_dma source(%dma_start3A_26 : memref<6256x8xf32, #tpu.memory_space<hbm>>) target(%dma_start3A_23 : memref<6256x8xf32, #tpu.memory_space<vmem_shared>>) target_semaphore(%run_scoped3A : memref<!tpu.dma_semaphore, #tpu.memory_space<semaphore_mem>>)
        %dma_wait3A = arith.constant 0 : i32
        %dma_wait3A_27 = tpu.memref_slice %arg10[%multiple_of3A, %dma_wait3A] : memref<100000x8xf32, #tpu.memory_space<vmem_shared>> -> memref<6256x8xf32, #tpu.memory_space<vmem_shared>>
        %dma_wait3A_28 = arith.constant 0 : i32
        %dma_wait3A_29 = tpu.memref_slice %arg2[%arg0, %multiple_of3A, %dma_wait3A_28] : memref<2x100000x8xf32, #tpu.memory_space<hbm>> -> memref<1x6256x8xf32, #tpu.memory_space<hbm>>
        %dma_wait3A_30 = tpu.memref_squeeze %dma_wait3A_29 : memref<1x6256x8xf32, #tpu.memory_space<hbm>> -> memref<6256x8xf32, #tpu.memory_space<hbm>>
        tpu.wait_dma2 semaphore(%run_scoped3A : memref<!tpu.dma_semaphore, #tpu.memory_space<semaphore_mem>>) src(%dma_wait3A_30 : memref<6256x8xf32, #tpu.memory_space<hbm>>) dst(%dma_wait3A_27 : memref<6256x8xf32, #tpu.memory_space<vmem_shared>>)
        tpu.yield
      }) : () -> ()
    } else {
    }
    %eq3A = arith.constant 15 : i32
    %eq3A_2 = arith.cmpi eq, %arg1, %eq3A : i32
    %convert_element_type3A_3 = arith.extui %eq3A_2 : i1 to i32
    %cond3A_4 = arith.constant 0 : i32
    %cond3A_5 = arith.cmpi ne, %convert_element_type3A_3, %cond3A_4 : i32
    scf.if %cond3A_5 {
      "tpu.region"() ({
        %run_scoped3A = tpu.sem_alloc : memref<!tpu.dma_semaphore, #tpu.memory_space<semaphore_mem>>
        %dma_start3A = arith.constant 93840 : i32
        %dma_start3A_22 = arith.constant 0 : i32
        %dma_start3A_23 = tpu.memref_slice %arg9[%dma_start3A, %dma_start3A_22] : memref<100000x8xf32, #tpu.memory_space<vmem_shared>> -> memref<6160x8xf32, #tpu.memory_space<vmem_shared>>
        %dma_start3A_24 = arith.constant 93840 : i32
        %dma_start3A_25 = arith.constant 0 : i32
        %dma_start3A_26 = tpu.memref_slice %arg2[%arg0, %dma_start3A_24, %dma_start3A_25] : memref<2x100000x8xf32, #tpu.memory_space<hbm>> -> memref<1x6160x8xf32, #tpu.memory_space<hbm>>
        %dma_start3A_27 = tpu.memref_squeeze %dma_start3A_26 : memref<1x6160x8xf32, #tpu.memory_space<hbm>> -> memref<6160x8xf32, #tpu.memory_space<hbm>>
        tpu.enqueue_dma source(%dma_start3A_27 : memref<6160x8xf32, #tpu.memory_space<hbm>>) target(%dma_start3A_23 : memref<6160x8xf32, #tpu.memory_space<vmem_shared>>) target_semaphore(%run_scoped3A : memref<!tpu.dma_semaphore, #tpu.memory_space<semaphore_mem>>)
        %dma_wait3A = arith.constant 93840 : i32
        %dma_wait3A_28 = arith.constant 0 : i32
        %dma_wait3A_29 = tpu.memref_slice %arg9[%dma_wait3A, %dma_wait3A_28] : memref<100000x8xf32, #tpu.memory_space<vmem_shared>> -> memref<6160x8xf32, #tpu.memory_space<vmem_shared>>
        %dma_wait3A_30 = arith.constant 93840 : i32
        %dma_wait3A_31 = arith.constant 0 : i32
        %dma_wait3A_32 = tpu.memref_slice %arg2[%arg0, %dma_wait3A_30, %dma_wait3A_31] : memref<2x100000x8xf32, #tpu.memory_space<hbm>> -> memref<1x6160x8xf32, #tpu.memory_space<hbm>>
        %dma_wait3A_33 = tpu.memref_squeeze %dma_wait3A_32 : memref<1x6160x8xf32, #tpu.memory_space<hbm>> -> memref<6160x8xf32, #tpu.memory_space<hbm>>
        tpu.wait_dma2 semaphore(%run_scoped3A : memref<!tpu.dma_semaphore, #tpu.memory_space<semaphore_mem>>) src(%dma_wait3A_33 : memref<6160x8xf32, #tpu.memory_space<hbm>>) dst(%dma_wait3A_29 : memref<6160x8xf32, #tpu.memory_space<vmem_shared>>)
        tpu.yield
      }) : () -> ()
      "tpu.region"() ({
        %run_scoped3A = tpu.sem_alloc : memref<!tpu.dma_semaphore, #tpu.memory_space<semaphore_mem>>
        %dma_start3A = arith.constant 93840 : i32
        %dma_start3A_22 = arith.constant 0 : i32
        %dma_start3A_23 = tpu.memref_slice %arg10[%dma_start3A, %dma_start3A_22] : memref<100000x8xf32, #tpu.memory_space<vmem_shared>> -> memref<6160x8xf32, #tpu.memory_space<vmem_shared>>
        %dma_start3A_24 = arith.constant 93840 : i32
        %dma_start3A_25 = arith.constant 0 : i32
        %dma_start3A_26 = tpu.memref_slice %arg2[%arg0, %dma_start3A_24, %dma_start3A_25] : memref<2x100000x8xf32, #tpu.memory_space<hbm>> -> memref<1x6160x8xf32, #tpu.memory_space<hbm>>
        %dma_start3A_27 = tpu.memref_squeeze %dma_start3A_26 : memref<1x6160x8xf32, #tpu.memory_space<hbm>> -> memref<6160x8xf32, #tpu.memory_space<hbm>>
        tpu.enqueue_dma source(%dma_start3A_27 : memref<6160x8xf32, #tpu.memory_space<hbm>>) target(%dma_start3A_23 : memref<6160x8xf32, #tpu.memory_space<vmem_shared>>) target_semaphore(%run_scoped3A : memref<!tpu.dma_semaphore, #tpu.memory_space<semaphore_mem>>)
        %dma_wait3A = arith.constant 93840 : i32
        %dma_wait3A_28 = arith.constant 0 : i32
        %dma_wait3A_29 = tpu.memref_slice %arg10[%dma_wait3A, %dma_wait3A_28] : memref<100000x8xf32, #tpu.memory_space<vmem_shared>> -> memref<6160x8xf32, #tpu.memory_space<vmem_shared>>
        %dma_wait3A_30 = arith.constant 93840 : i32
        %dma_wait3A_31 = arith.constant 0 : i32
        %dma_wait3A_32 = tpu.memref_slice %arg2[%arg0, %dma_wait3A_30, %dma_wait3A_31] : memref<2x100000x8xf32, #tpu.memory_space<hbm>> -> memref<1x6160x8xf32, #tpu.memory_space<hbm>>
        %dma_wait3A_33 = tpu.memref_squeeze %dma_wait3A_32 : memref<1x6160x8xf32, #tpu.memory_space<hbm>> -> memref<6160x8xf32, #tpu.memory_space<hbm>>
        tpu.wait_dma2 semaphore(%run_scoped3A : memref<!tpu.dma_semaphore, #tpu.memory_space<semaphore_mem>>) src(%dma_wait3A_33 : memref<6160x8xf32, #tpu.memory_space<hbm>>) dst(%dma_wait3A_29 : memref<6160x8xf32, #tpu.memory_space<vmem_shared>>)
        tpu.yield
      }) : () -> ()
    } else {
    }
    %barrier3A = arith.constant 0 : index
    tpu.barrier barrier_id(%barrier3A)
    %scan3A = arith.constant 0 : i32
    %scan3A_6 = arith.constant 0 : i32
    %scan3A_7 = arith.constant 100 : i32
    %scan3A_8 = arith.addi %scan3A_6, %scan3A_7 : i32
    %scan3A_9 = arith.constant 1 : i32
    scf.for %scan3A_22 = %scan3A_6 to %scan3A_8 step %scan3A_9  : i32 {
      %mul3A = arith.constant 3200000 : i32
      %mul3A_23 = arith.muli %arg0, %mul3A : i32
      %mul3A_24 = arith.constant 200000 : i32
      %mul3A_25 = arith.muli %arg1, %mul3A_24 : i32
      %add3A = arith.addi %mul3A_23, %mul3A_25 : i32
      %mul3A_26 = arith.constant 2000 : i32
      %mul3A_27 = arith.muli %scan3A_22, %mul3A_26 : i32
      %add3A_28 = arith.addi %add3A, %mul3A_27 : i32
      %multiple_of3A = tpu.assume_multiple %add3A_28, 8 : i32
      %sub3A = arith.constant 1 : i32
      %sub3A_29 = arith.subi %sub3A, %arg0 : i32
      %mul3A_30 = arith.constant 3200000 : i32
      %mul3A_31 = arith.muli %sub3A_29, %mul3A_30 : i32
      %mul3A_32 = arith.constant 200000 : i32
      %mul3A_33 = arith.muli %arg1, %mul3A_32 : i32
      %add3A_34 = arith.addi %mul3A_31, %mul3A_33 : i32
      %mul3A_35 = arith.constant 2000 : i32
      %mul3A_36 = arith.muli %scan3A_22, %mul3A_35 : i32
      %add3A_37 = arith.addi %add3A_34, %mul3A_36 : i32
      %multiple_of3A_38 = tpu.assume_multiple %add3A_37, 8 : i32
      "tpu.region"() ({
        %run_scoped3A = tpu.sem_alloc : memref<!tpu.dma_semaphore, #tpu.memory_space<semaphore_mem>>
        %dma_start3A_43 = tpu.memref_slice %arg3[%multiple_of3A] : memref<6400000xi32, #tpu.memory_space<hbm>> -> memref<2000xi32, #tpu.memory_space<hbm>>
        %dma_start3A_44 = tpu.memref_slice %arg3[%multiple_of3A] : memref<6400000xi32, #tpu.memory_space<hbm>> -> memref<2000xi32, #tpu.memory_space<hbm>>
        tpu.enqueue_dma source(%dma_start3A_44 : memref<2000xi32, #tpu.memory_space<hbm>>) target(%arg5 : memref<2000xi32, #tpu.memory_space<vmem>>) target_semaphore(%run_scoped3A : memref<!tpu.dma_semaphore, #tpu.memory_space<semaphore_mem>>)
        %dma_wait3A_45 = tpu.memref_slice %arg3[%multiple_of3A] : memref<6400000xi32, #tpu.memory_space<hbm>> -> memref<2000xi32, #tpu.memory_space<hbm>>
        %dma_wait3A_46 = tpu.memref_slice %arg3[%multiple_of3A] : memref<6400000xi32, #tpu.memory_space<hbm>> -> memref<2000xi32, #tpu.memory_space<hbm>>
        tpu.wait_dma2 semaphore(%run_scoped3A : memref<!tpu.dma_semaphore, #tpu.memory_space<semaphore_mem>>) src(%dma_wait3A_46 : memref<2000xi32, #tpu.memory_space<hbm>>) dst(%arg5 : memref<2000xi32, #tpu.memory_space<vmem>>)
        tpu.yield
      }) : () -> ()
      "tpu.region"() ({
        %run_scoped3A = tpu.sem_alloc : memref<!tpu.dma_semaphore, #tpu.memory_space<semaphore_mem>>
        %dma_start3A_43 = tpu.memref_slice %arg3[%multiple_of3A_38] : memref<6400000xi32, #tpu.memory_space<hbm>> -> memref<2000xi32, #tpu.memory_space<hbm>>
        %dma_start3A_44 = tpu.memref_slice %arg3[%multiple_of3A_38] : memref<6400000xi32, #tpu.memory_space<hbm>> -> memref<2000xi32, #tpu.memory_space<hbm>>
        tpu.enqueue_dma source(%dma_start3A_44 : memref<2000xi32, #tpu.memory_space<hbm>>) target(%arg6 : memref<2000xi32, #tpu.memory_space<vmem>>) target_semaphore(%run_scoped3A : memref<!tpu.dma_semaphore, #tpu.memory_space<semaphore_mem>>)
        %dma_wait3A_45 = tpu.memref_slice %arg3[%multiple_of3A_38] : memref<6400000xi32, #tpu.memory_space<hbm>> -> memref<2000xi32, #tpu.memory_space<hbm>>
        %dma_wait3A_46 = tpu.memref_slice %arg3[%multiple_of3A_38] : memref<6400000xi32, #tpu.memory_space<hbm>> -> memref<2000xi32, #tpu.memory_space<hbm>>
        tpu.wait_dma2 semaphore(%run_scoped3A : memref<!tpu.dma_semaphore, #tpu.memory_space<semaphore_mem>>) src(%dma_wait3A_46 : memref<2000xi32, #tpu.memory_space<hbm>>) dst(%arg6 : memref<2000xi32, #tpu.memory_space<vmem>>)
        tpu.yield
      }) : () -> ()
      %dma_start3A = arith.constant 0 : i32
      %dma_start3A_39 = arith.constant 0 : i32
      %dma_start3A_40 = tpu.memref_slice %arg9[%dma_start3A, %dma_start3A_39] : memref<100000x8xf32, #tpu.memory_space<vmem_shared>> -> memref<100000x8xf32, #tpu.memory_space<vmem_shared>>
      tpu.enqueue_indirect_dma source(%dma_start3A_40 : memref<100000x8xf32, #tpu.memory_space<vmem_shared>>) target(%arg7 : memref<2000x8xf32, #tpu.memory_space<vmem>>) offsets(%arg5 : memref<2000xi32, #tpu.memory_space<vmem>>) semaphore(%arg8 : memref<!tpu.dma_semaphore, #tpu.memory_space<semaphore_mem>>)
      %dma_wait3A = arith.constant 0 : i32
      %dma_wait3A_41 = arith.constant 0 : i32
      %dma_wait3A_42 = tpu.memref_slice %arg9[%dma_wait3A, %dma_wait3A_41] : memref<100000x8xf32, #tpu.memory_space<vmem_shared>> -> memref<100000x8xf32, #tpu.memory_space<vmem_shared>>
      tpu.wait_indirect_dma semaphore(%arg8 : memref<!tpu.dma_semaphore, #tpu.memory_space<semaphore_mem>>) src(%dma_wait3A_42 : memref<100000x8xf32, #tpu.memory_space<vmem_shared>>) dst(%arg7 : memref<2000x8xf32, #tpu.memory_space<vmem>>)
      "tpu.region"() ({
        %run_scoped3A = tpu.sem_alloc : memref<!tpu.dma_semaphore, #tpu.memory_space<semaphore_mem>>
        %dma_start3A_43 = arith.constant 0 : i32
        %dma_start3A_44 = arith.constant 0 : i32
        %dma_start3A_45 = tpu.memref_slice %arg10[%dma_start3A_43, %dma_start3A_44] : memref<100000x8xf32, #tpu.memory_space<vmem_shared>> -> memref<100000x8xf32, #tpu.memory_space<vmem_shared>>
        tpu.enqueue_indirect_dma source(%arg7 : memref<2000x8xf32, #tpu.memory_space<vmem>>) target(%dma_start3A_45 : memref<100000x8xf32, #tpu.memory_space<vmem_shared>>) offsets(%arg6 : memref<2000xi32, #tpu.memory_space<vmem>>) semaphore(%run_scoped3A : memref<!tpu.dma_semaphore, #tpu.memory_space<semaphore_mem>>) {add = true}
        %dma_wait3A_46 = arith.constant 0 : i32
        %dma_wait3A_47 = arith.constant 0 : i32
        %dma_wait3A_48 = tpu.memref_slice %arg10[%dma_wait3A_46, %dma_wait3A_47] : memref<100000x8xf32, #tpu.memory_space<vmem_shared>> -> memref<100000x8xf32, #tpu.memory_space<vmem_shared>>
        tpu.wait_indirect_dma semaphore(%run_scoped3A : memref<!tpu.dma_semaphore, #tpu.memory_space<semaphore_mem>>) src(%arg7 : memref<2000x8xf32, #tpu.memory_space<vmem>>) dst(%dma_wait3A_48 : memref<100000x8xf32, #tpu.memory_space<vmem_shared>>)
        tpu.yield
      }) : () -> ()
    }
    %scan3A_10 = arith.constant 100 : i32
    %barrier3A_11 = arith.constant 0 : index
    tpu.barrier barrier_id(%barrier3A_11)
    %lt3A_12 = arith.constant 15 : i32
    %lt3A_13 = arith.cmpi slt, %arg1, %lt3A_12 : i32
    %convert_element_type3A_14 = arith.extui %lt3A_13 : i1 to i32
    %cond3A_15 = arith.constant 0 : i32
    %cond3A_16 = arith.cmpi ne, %convert_element_type3A_14, %cond3A_15 : i32
    scf.if %cond3A_16 {
      %mul3A = arith.constant 6256 : i32
      %mul3A_22 = arith.muli %arg1, %mul3A : i32
      %multiple_of3A = tpu.assume_multiple %mul3A_22, 8 : i32
      "tpu.region"() ({
        %run_scoped3A = tpu.sem_alloc : memref<!tpu.dma_semaphore, #tpu.memory_space<semaphore_mem>>
        %dma_start3A = arith.constant 0 : i32
        %dma_start3A_23 = tpu.memref_slice %arg4[%arg0, %multiple_of3A, %dma_start3A] : memref<2x100000x8xf32, #tpu.memory_space<hbm>> -> memref<1x6256x8xf32, #tpu.memory_space<hbm>>
        %dma_start3A_24 = tpu.memref_squeeze %dma_start3A_23 : memref<1x6256x8xf32, #tpu.memory_space<hbm>> -> memref<6256x8xf32, #tpu.memory_space<hbm>>
        %dma_start3A_25 = arith.constant 0 : i32
        %dma_start3A_26 = tpu.memref_slice %arg10[%multiple_of3A, %dma_start3A_25] : memref<100000x8xf32, #tpu.memory_space<vmem_shared>> -> memref<6256x8xf32, #tpu.memory_space<vmem_shared>>
        tpu.enqueue_dma source(%dma_start3A_26 : memref<6256x8xf32, #tpu.memory_space<vmem_shared>>) target(%dma_start3A_24 : memref<6256x8xf32, #tpu.memory_space<hbm>>) target_semaphore(%run_scoped3A : memref<!tpu.dma_semaphore, #tpu.memory_space<semaphore_mem>>)
        %dma_wait3A = arith.constant 0 : i32
        %dma_wait3A_27 = tpu.memref_slice %arg4[%arg0, %multiple_of3A, %dma_wait3A] : memref<2x100000x8xf32, #tpu.memory_space<hbm>> -> memref<1x6256x8xf32, #tpu.memory_space<hbm>>
        %dma_wait3A_28 = tpu.memref_squeeze %dma_wait3A_27 : memref<1x6256x8xf32, #tpu.memory_space<hbm>> -> memref<6256x8xf32, #tpu.memory_space<hbm>>
        %dma_wait3A_29 = arith.constant 0 : i32
        %dma_wait3A_30 = tpu.memref_slice %arg10[%multiple_of3A, %dma_wait3A_29] : memref<100000x8xf32, #tpu.memory_space<vmem_shared>> -> memref<6256x8xf32, #tpu.memory_space<vmem_shared>>
        tpu.wait_dma2 semaphore(%run_scoped3A : memref<!tpu.dma_semaphore, #tpu.memory_space<semaphore_mem>>) src(%dma_wait3A_30 : memref<6256x8xf32, #tpu.memory_space<vmem_shared>>) dst(%dma_wait3A_28 : memref<6256x8xf32, #tpu.memory_space<hbm>>)
        tpu.yield
      }) : () -> ()
    } else {
    }
    %eq3A_17 = arith.constant 15 : i32
    %eq3A_18 = arith.cmpi eq, %arg1, %eq3A_17 : i32
    %convert_element_type3A_19 = arith.extui %eq3A_18 : i1 to i32
    %cond3A_20 = arith.constant 0 : i32
    %cond3A_21 = arith.cmpi ne, %convert_element_type3A_19, %cond3A_20 : i32
    scf.if %cond3A_21 {
      "tpu.region"() ({
        %run_scoped3A = tpu.sem_alloc : memref<!tpu.dma_semaphore, #tpu.memory_space<semaphore_mem>>
        %dma_start3A = arith.constant 93840 : i32
        %dma_start3A_22 = arith.constant 0 : i32
        %dma_start3A_23 = tpu.memref_slice %arg4[%arg0, %dma_start3A, %dma_start3A_22] : memref<2x100000x8xf32, #tpu.memory_space<hbm>> -> memref<1x6160x8xf32, #tpu.memory_space<hbm>>
        %dma_start3A_24 = tpu.memref_squeeze %dma_start3A_23 : memref<1x6160x8xf32, #tpu.memory_space<hbm>> -> memref<6160x8xf32, #tpu.memory_space<hbm>>
        %dma_start3A_25 = arith.constant 93840 : i32
        %dma_start3A_26 = arith.constant 0 : i32
        %dma_start3A_27 = tpu.memref_slice %arg10[%dma_start3A_25, %dma_start3A_26] : memref<100000x8xf32, #tpu.memory_space<vmem_shared>> -> memref<6160x8xf32, #tpu.memory_space<vmem_shared>>
        tpu.enqueue_dma source(%dma_start3A_27 : memref<6160x8xf32, #tpu.memory_space<vmem_shared>>) target(%dma_start3A_24 : memref<6160x8xf32, #tpu.memory_space<hbm>>) target_semaphore(%run_scoped3A : memref<!tpu.dma_semaphore, #tpu.memory_space<semaphore_mem>>)
        %dma_wait3A = arith.constant 93840 : i32
        %dma_wait3A_28 = arith.constant 0 : i32
        %dma_wait3A_29 = tpu.memref_slice %arg4[%arg0, %dma_wait3A, %dma_wait3A_28] : memref<2x100000x8xf32, #tpu.memory_space<hbm>> -> memref<1x6160x8xf32, #tpu.memory_space<hbm>>
        %dma_wait3A_30 = tpu.memref_squeeze %dma_wait3A_29 : memref<1x6160x8xf32, #tpu.memory_space<hbm>> -> memref<6160x8xf32, #tpu.memory_space<hbm>>
        %dma_wait3A_31 = arith.constant 93840 : i32
        %dma_wait3A_32 = arith.constant 0 : i32
        %dma_wait3A_33 = tpu.memref_slice %arg10[%dma_wait3A_31, %dma_wait3A_32] : memref<100000x8xf32, #tpu.memory_space<vmem_shared>> -> memref<6160x8xf32, #tpu.memory_space<vmem_shared>>
        tpu.wait_dma2 semaphore(%run_scoped3A : memref<!tpu.dma_semaphore, #tpu.memory_space<semaphore_mem>>) src(%dma_wait3A_33 : memref<6160x8xf32, #tpu.memory_space<vmem_shared>>) dst(%dma_wait3A_30 : memref<6160x8xf32, #tpu.memory_space<hbm>>)
        tpu.yield
      }) : () -> ()
    } else {
    }
    return
  }
}

#map = affine_map<(d0, d1) -> (0, 0, 0)>
#map1 = affine_map<(d0, d1) -> (0)>
module attributes {stable_mosaic.version = 14 : i64} {
  func.func @_msg_body(%arg0: i32, %arg1: i32, %arg2: memref<2x100000x1xf32, #tpu.memory_space<hbm>>, %arg3: memref<6400000xi32, #tpu.memory_space<hbm>>, %arg4: memref<2x100000x1xf32, #tpu.memory_space<hbm>>, %arg5: memref<2000xi32, #tpu.memory_space<vmem>>, %arg6: memref<2000xi32, #tpu.memory_space<vmem>>, %arg7: memref<2000x1xf32, #tpu.memory_space<vmem>>, %arg8: memref<!tpu.dma_semaphore, #tpu.memory_space<semaphore_mem>>, %arg9: memref<100000x1xf32, #tpu.memory_space<vmem_shared>>, %arg10: memref<100000x1xf32, #tpu.memory_space<vmem_shared>>) attributes {dimension_semantics = [#tpu.dimension_semantics<core_parallel>, #tpu.dimension_semantics<subcore_parallel>], iteration_bounds = array<i64: 2, 16>, scalar_prefetch = 0 : i64, scratch_operands = 6 : i64, tpu.core_type = #tpu.core_type<sc_vector_subcore>, window_params = [{transform_indices = #map}, {transform_indices = #map1}, {transform_indices = #map}]} {
    %lt3A = arith.constant 15 : i32
    %lt3A_0 = arith.cmpi slt, %arg1, %lt3A : i32
    %convert_element_type3A = arith.extui %lt3A_0 : i1 to i32
    %cond3A = arith.constant 0 : i32
    %cond3A_1 = arith.cmpi ne, %convert_element_type3A, %cond3A : i32
    scf.if %cond3A_1 {
      %mul3A = arith.constant 6256 : i32
      %mul3A_22 = arith.muli %arg1, %mul3A : i32
      %multiple_of3A = tpu.assume_multiple %mul3A_22, 8 : i32
      "tpu.region"() ({
        %run_scoped3A = tpu.sem_alloc : memref<!tpu.dma_semaphore, #tpu.memory_space<semaphore_mem>>
        %dma_start3A = arith.constant 0 : i32
        %dma_start3A_23 = tpu.memref_slice %arg9[%multiple_of3A, %dma_start3A] : memref<100000x1xf32, #tpu.memory_space<vmem_shared>> -> memref<6256x1xf32, #tpu.memory_space<vmem_shared>>
        %dma_start3A_24 = arith.constant 0 : i32
        %dma_start3A_25 = tpu.memref_slice %arg2[%arg0, %multiple_of3A, %dma_start3A_24] : memref<2x100000x1xf32, #tpu.memory_space<hbm>> -> memref<1x6256x1xf32, #tpu.memory_space<hbm>>
        %dma_start3A_26 = tpu.memref_squeeze %dma_start3A_25 : memref<1x6256x1xf32, #tpu.memory_space<hbm>> -> memref<6256x1xf32, #tpu.memory_space<hbm>>
        tpu.enqueue_dma source(%dma_start3A_26 : memref<6256x1xf32, #tpu.memory_space<hbm>>) target(%dma_start3A_23 : memref<6256x1xf32, #tpu.memory_space<vmem_shared>>) target_semaphore(%run_scoped3A : memref<!tpu.dma_semaphore, #tpu.memory_space<semaphore_mem>>)
        %dma_wait3A = arith.constant 0 : i32
        %dma_wait3A_27 = tpu.memref_slice %arg9[%multiple_of3A, %dma_wait3A] : memref<100000x1xf32, #tpu.memory_space<vmem_shared>> -> memref<6256x1xf32, #tpu.memory_space<vmem_shared>>
        %dma_wait3A_28 = arith.constant 0 : i32
        %dma_wait3A_29 = tpu.memref_slice %arg2[%arg0, %multiple_of3A, %dma_wait3A_28] : memref<2x100000x1xf32, #tpu.memory_space<hbm>> -> memref<1x6256x1xf32, #tpu.memory_space<hbm>>
        %dma_wait3A_30 = tpu.memref_squeeze %dma_wait3A_29 : memref<1x6256x1xf32, #tpu.memory_space<hbm>> -> memref<6256x1xf32, #tpu.memory_space<hbm>>
        tpu.wait_dma2 semaphore(%run_scoped3A : memref<!tpu.dma_semaphore, #tpu.memory_space<semaphore_mem>>) src(%dma_wait3A_30 : memref<6256x1xf32, #tpu.memory_space<hbm>>) dst(%dma_wait3A_27 : memref<6256x1xf32, #tpu.memory_space<vmem_shared>>)
        tpu.yield
      }) : () -> ()
      "tpu.region"() ({
        %run_scoped3A = tpu.sem_alloc : memref<!tpu.dma_semaphore, #tpu.memory_space<semaphore_mem>>
        %dma_start3A = arith.constant 0 : i32
        %dma_start3A_23 = tpu.memref_slice %arg10[%multiple_of3A, %dma_start3A] : memref<100000x1xf32, #tpu.memory_space<vmem_shared>> -> memref<6256x1xf32, #tpu.memory_space<vmem_shared>>
        %dma_start3A_24 = arith.constant 0 : i32
        %dma_start3A_25 = tpu.memref_slice %arg2[%arg0, %multiple_of3A, %dma_start3A_24] : memref<2x100000x1xf32, #tpu.memory_space<hbm>> -> memref<1x6256x1xf32, #tpu.memory_space<hbm>>
        %dma_start3A_26 = tpu.memref_squeeze %dma_start3A_25 : memref<1x6256x1xf32, #tpu.memory_space<hbm>> -> memref<6256x1xf32, #tpu.memory_space<hbm>>
        tpu.enqueue_dma source(%dma_start3A_26 : memref<6256x1xf32, #tpu.memory_space<hbm>>) target(%dma_start3A_23 : memref<6256x1xf32, #tpu.memory_space<vmem_shared>>) target_semaphore(%run_scoped3A : memref<!tpu.dma_semaphore, #tpu.memory_space<semaphore_mem>>)
        %dma_wait3A = arith.constant 0 : i32
        %dma_wait3A_27 = tpu.memref_slice %arg10[%multiple_of3A, %dma_wait3A] : memref<100000x1xf32, #tpu.memory_space<vmem_shared>> -> memref<6256x1xf32, #tpu.memory_space<vmem_shared>>
        %dma_wait3A_28 = arith.constant 0 : i32
        %dma_wait3A_29 = tpu.memref_slice %arg2[%arg0, %multiple_of3A, %dma_wait3A_28] : memref<2x100000x1xf32, #tpu.memory_space<hbm>> -> memref<1x6256x1xf32, #tpu.memory_space<hbm>>
        %dma_wait3A_30 = tpu.memref_squeeze %dma_wait3A_29 : memref<1x6256x1xf32, #tpu.memory_space<hbm>> -> memref<6256x1xf32, #tpu.memory_space<hbm>>
        tpu.wait_dma2 semaphore(%run_scoped3A : memref<!tpu.dma_semaphore, #tpu.memory_space<semaphore_mem>>) src(%dma_wait3A_30 : memref<6256x1xf32, #tpu.memory_space<hbm>>) dst(%dma_wait3A_27 : memref<6256x1xf32, #tpu.memory_space<vmem_shared>>)
        tpu.yield
      }) : () -> ()
    } else {
    }
    %eq3A = arith.constant 15 : i32
    %eq3A_2 = arith.cmpi eq, %arg1, %eq3A : i32
    %convert_element_type3A_3 = arith.extui %eq3A_2 : i1 to i32
    %cond3A_4 = arith.constant 0 : i32
    %cond3A_5 = arith.cmpi ne, %convert_element_type3A_3, %cond3A_4 : i32
    scf.if %cond3A_5 {
      "tpu.region"() ({
        %run_scoped3A = tpu.sem_alloc : memref<!tpu.dma_semaphore, #tpu.memory_space<semaphore_mem>>
        %dma_start3A = arith.constant 93840 : i32
        %dma_start3A_22 = arith.constant 0 : i32
        %dma_start3A_23 = tpu.memref_slice %arg9[%dma_start3A, %dma_start3A_22] : memref<100000x1xf32, #tpu.memory_space<vmem_shared>> -> memref<6160x1xf32, #tpu.memory_space<vmem_shared>>
        %dma_start3A_24 = arith.constant 93840 : i32
        %dma_start3A_25 = arith.constant 0 : i32
        %dma_start3A_26 = tpu.memref_slice %arg2[%arg0, %dma_start3A_24, %dma_start3A_25] : memref<2x100000x1xf32, #tpu.memory_space<hbm>> -> memref<1x6160x1xf32, #tpu.memory_space<hbm>>
        %dma_start3A_27 = tpu.memref_squeeze %dma_start3A_26 : memref<1x6160x1xf32, #tpu.memory_space<hbm>> -> memref<6160x1xf32, #tpu.memory_space<hbm>>
        tpu.enqueue_dma source(%dma_start3A_27 : memref<6160x1xf32, #tpu.memory_space<hbm>>) target(%dma_start3A_23 : memref<6160x1xf32, #tpu.memory_space<vmem_shared>>) target_semaphore(%run_scoped3A : memref<!tpu.dma_semaphore, #tpu.memory_space<semaphore_mem>>)
        %dma_wait3A = arith.constant 93840 : i32
        %dma_wait3A_28 = arith.constant 0 : i32
        %dma_wait3A_29 = tpu.memref_slice %arg9[%dma_wait3A, %dma_wait3A_28] : memref<100000x1xf32, #tpu.memory_space<vmem_shared>> -> memref<6160x1xf32, #tpu.memory_space<vmem_shared>>
        %dma_wait3A_30 = arith.constant 93840 : i32
        %dma_wait3A_31 = arith.constant 0 : i32
        %dma_wait3A_32 = tpu.memref_slice %arg2[%arg0, %dma_wait3A_30, %dma_wait3A_31] : memref<2x100000x1xf32, #tpu.memory_space<hbm>> -> memref<1x6160x1xf32, #tpu.memory_space<hbm>>
        %dma_wait3A_33 = tpu.memref_squeeze %dma_wait3A_32 : memref<1x6160x1xf32, #tpu.memory_space<hbm>> -> memref<6160x1xf32, #tpu.memory_space<hbm>>
        tpu.wait_dma2 semaphore(%run_scoped3A : memref<!tpu.dma_semaphore, #tpu.memory_space<semaphore_mem>>) src(%dma_wait3A_33 : memref<6160x1xf32, #tpu.memory_space<hbm>>) dst(%dma_wait3A_29 : memref<6160x1xf32, #tpu.memory_space<vmem_shared>>)
        tpu.yield
      }) : () -> ()
      "tpu.region"() ({
        %run_scoped3A = tpu.sem_alloc : memref<!tpu.dma_semaphore, #tpu.memory_space<semaphore_mem>>
        %dma_start3A = arith.constant 93840 : i32
        %dma_start3A_22 = arith.constant 0 : i32
        %dma_start3A_23 = tpu.memref_slice %arg10[%dma_start3A, %dma_start3A_22] : memref<100000x1xf32, #tpu.memory_space<vmem_shared>> -> memref<6160x1xf32, #tpu.memory_space<vmem_shared>>
        %dma_start3A_24 = arith.constant 93840 : i32
        %dma_start3A_25 = arith.constant 0 : i32
        %dma_start3A_26 = tpu.memref_slice %arg2[%arg0, %dma_start3A_24, %dma_start3A_25] : memref<2x100000x1xf32, #tpu.memory_space<hbm>> -> memref<1x6160x1xf32, #tpu.memory_space<hbm>>
        %dma_start3A_27 = tpu.memref_squeeze %dma_start3A_26 : memref<1x6160x1xf32, #tpu.memory_space<hbm>> -> memref<6160x1xf32, #tpu.memory_space<hbm>>
        tpu.enqueue_dma source(%dma_start3A_27 : memref<6160x1xf32, #tpu.memory_space<hbm>>) target(%dma_start3A_23 : memref<6160x1xf32, #tpu.memory_space<vmem_shared>>) target_semaphore(%run_scoped3A : memref<!tpu.dma_semaphore, #tpu.memory_space<semaphore_mem>>)
        %dma_wait3A = arith.constant 93840 : i32
        %dma_wait3A_28 = arith.constant 0 : i32
        %dma_wait3A_29 = tpu.memref_slice %arg10[%dma_wait3A, %dma_wait3A_28] : memref<100000x1xf32, #tpu.memory_space<vmem_shared>> -> memref<6160x1xf32, #tpu.memory_space<vmem_shared>>
        %dma_wait3A_30 = arith.constant 93840 : i32
        %dma_wait3A_31 = arith.constant 0 : i32
        %dma_wait3A_32 = tpu.memref_slice %arg2[%arg0, %dma_wait3A_30, %dma_wait3A_31] : memref<2x100000x1xf32, #tpu.memory_space<hbm>> -> memref<1x6160x1xf32, #tpu.memory_space<hbm>>
        %dma_wait3A_33 = tpu.memref_squeeze %dma_wait3A_32 : memref<1x6160x1xf32, #tpu.memory_space<hbm>> -> memref<6160x1xf32, #tpu.memory_space<hbm>>
        tpu.wait_dma2 semaphore(%run_scoped3A : memref<!tpu.dma_semaphore, #tpu.memory_space<semaphore_mem>>) src(%dma_wait3A_33 : memref<6160x1xf32, #tpu.memory_space<hbm>>) dst(%dma_wait3A_29 : memref<6160x1xf32, #tpu.memory_space<vmem_shared>>)
        tpu.yield
      }) : () -> ()
    } else {
    }
    %barrier3A = arith.constant 0 : index
    tpu.barrier barrier_id(%barrier3A)
    %scan3A = arith.constant 0 : i32
    %scan3A_6 = arith.constant 0 : i32
    %scan3A_7 = arith.constant 100 : i32
    %scan3A_8 = arith.addi %scan3A_6, %scan3A_7 : i32
    %scan3A_9 = arith.constant 1 : i32
    scf.for %scan3A_22 = %scan3A_6 to %scan3A_8 step %scan3A_9  : i32 {
      %mul3A = arith.constant 3200000 : i32
      %mul3A_23 = arith.muli %arg0, %mul3A : i32
      %mul3A_24 = arith.constant 200000 : i32
      %mul3A_25 = arith.muli %arg1, %mul3A_24 : i32
      %add3A = arith.addi %mul3A_23, %mul3A_25 : i32
      %mul3A_26 = arith.constant 2000 : i32
      %mul3A_27 = arith.muli %scan3A_22, %mul3A_26 : i32
      %add3A_28 = arith.addi %add3A, %mul3A_27 : i32
      %multiple_of3A = tpu.assume_multiple %add3A_28, 8 : i32
      %sub3A = arith.constant 1 : i32
      %sub3A_29 = arith.subi %sub3A, %arg0 : i32
      %mul3A_30 = arith.constant 3200000 : i32
      %mul3A_31 = arith.muli %sub3A_29, %mul3A_30 : i32
      %mul3A_32 = arith.constant 200000 : i32
      %mul3A_33 = arith.muli %arg1, %mul3A_32 : i32
      %add3A_34 = arith.addi %mul3A_31, %mul3A_33 : i32
      %mul3A_35 = arith.constant 2000 : i32
      %mul3A_36 = arith.muli %scan3A_22, %mul3A_35 : i32
      %add3A_37 = arith.addi %add3A_34, %mul3A_36 : i32
      %multiple_of3A_38 = tpu.assume_multiple %add3A_37, 8 : i32
      "tpu.region"() ({
        %run_scoped3A = tpu.sem_alloc : memref<!tpu.dma_semaphore, #tpu.memory_space<semaphore_mem>>
        %dma_start3A_43 = tpu.memref_slice %arg3[%multiple_of3A] : memref<6400000xi32, #tpu.memory_space<hbm>> -> memref<2000xi32, #tpu.memory_space<hbm>>
        %dma_start3A_44 = tpu.memref_slice %arg3[%multiple_of3A] : memref<6400000xi32, #tpu.memory_space<hbm>> -> memref<2000xi32, #tpu.memory_space<hbm>>
        tpu.enqueue_dma source(%dma_start3A_44 : memref<2000xi32, #tpu.memory_space<hbm>>) target(%arg5 : memref<2000xi32, #tpu.memory_space<vmem>>) target_semaphore(%run_scoped3A : memref<!tpu.dma_semaphore, #tpu.memory_space<semaphore_mem>>)
        %dma_wait3A_45 = tpu.memref_slice %arg3[%multiple_of3A] : memref<6400000xi32, #tpu.memory_space<hbm>> -> memref<2000xi32, #tpu.memory_space<hbm>>
        %dma_wait3A_46 = tpu.memref_slice %arg3[%multiple_of3A] : memref<6400000xi32, #tpu.memory_space<hbm>> -> memref<2000xi32, #tpu.memory_space<hbm>>
        tpu.wait_dma2 semaphore(%run_scoped3A : memref<!tpu.dma_semaphore, #tpu.memory_space<semaphore_mem>>) src(%dma_wait3A_46 : memref<2000xi32, #tpu.memory_space<hbm>>) dst(%arg5 : memref<2000xi32, #tpu.memory_space<vmem>>)
        tpu.yield
      }) : () -> ()
      "tpu.region"() ({
        %run_scoped3A = tpu.sem_alloc : memref<!tpu.dma_semaphore, #tpu.memory_space<semaphore_mem>>
        %dma_start3A_43 = tpu.memref_slice %arg3[%multiple_of3A_38] : memref<6400000xi32, #tpu.memory_space<hbm>> -> memref<2000xi32, #tpu.memory_space<hbm>>
        %dma_start3A_44 = tpu.memref_slice %arg3[%multiple_of3A_38] : memref<6400000xi32, #tpu.memory_space<hbm>> -> memref<2000xi32, #tpu.memory_space<hbm>>
        tpu.enqueue_dma source(%dma_start3A_44 : memref<2000xi32, #tpu.memory_space<hbm>>) target(%arg6 : memref<2000xi32, #tpu.memory_space<vmem>>) target_semaphore(%run_scoped3A : memref<!tpu.dma_semaphore, #tpu.memory_space<semaphore_mem>>)
        %dma_wait3A_45 = tpu.memref_slice %arg3[%multiple_of3A_38] : memref<6400000xi32, #tpu.memory_space<hbm>> -> memref<2000xi32, #tpu.memory_space<hbm>>
        %dma_wait3A_46 = tpu.memref_slice %arg3[%multiple_of3A_38] : memref<6400000xi32, #tpu.memory_space<hbm>> -> memref<2000xi32, #tpu.memory_space<hbm>>
        tpu.wait_dma2 semaphore(%run_scoped3A : memref<!tpu.dma_semaphore, #tpu.memory_space<semaphore_mem>>) src(%dma_wait3A_46 : memref<2000xi32, #tpu.memory_space<hbm>>) dst(%arg6 : memref<2000xi32, #tpu.memory_space<vmem>>)
        tpu.yield
      }) : () -> ()
      %dma_start3A = arith.constant 0 : i32
      %dma_start3A_39 = arith.constant 0 : i32
      %dma_start3A_40 = tpu.memref_slice %arg9[%dma_start3A, %dma_start3A_39] : memref<100000x1xf32, #tpu.memory_space<vmem_shared>> -> memref<100000x1xf32, #tpu.memory_space<vmem_shared>>
      tpu.enqueue_indirect_dma source(%dma_start3A_40 : memref<100000x1xf32, #tpu.memory_space<vmem_shared>>) target(%arg7 : memref<2000x1xf32, #tpu.memory_space<vmem>>) offsets(%arg5 : memref<2000xi32, #tpu.memory_space<vmem>>) semaphore(%arg8 : memref<!tpu.dma_semaphore, #tpu.memory_space<semaphore_mem>>)
      %dma_wait3A = arith.constant 0 : i32
      %dma_wait3A_41 = arith.constant 0 : i32
      %dma_wait3A_42 = tpu.memref_slice %arg9[%dma_wait3A, %dma_wait3A_41] : memref<100000x1xf32, #tpu.memory_space<vmem_shared>> -> memref<100000x1xf32, #tpu.memory_space<vmem_shared>>
      tpu.wait_indirect_dma semaphore(%arg8 : memref<!tpu.dma_semaphore, #tpu.memory_space<semaphore_mem>>) src(%dma_wait3A_42 : memref<100000x1xf32, #tpu.memory_space<vmem_shared>>) dst(%arg7 : memref<2000x1xf32, #tpu.memory_space<vmem>>)
      "tpu.region"() ({
        %run_scoped3A = tpu.sem_alloc : memref<!tpu.dma_semaphore, #tpu.memory_space<semaphore_mem>>
        %dma_start3A_43 = arith.constant 0 : i32
        %dma_start3A_44 = arith.constant 0 : i32
        %dma_start3A_45 = tpu.memref_slice %arg10[%dma_start3A_43, %dma_start3A_44] : memref<100000x1xf32, #tpu.memory_space<vmem_shared>> -> memref<100000x1xf32, #tpu.memory_space<vmem_shared>>
        tpu.enqueue_indirect_dma source(%arg7 : memref<2000x1xf32, #tpu.memory_space<vmem>>) target(%dma_start3A_45 : memref<100000x1xf32, #tpu.memory_space<vmem_shared>>) offsets(%arg6 : memref<2000xi32, #tpu.memory_space<vmem>>) semaphore(%run_scoped3A : memref<!tpu.dma_semaphore, #tpu.memory_space<semaphore_mem>>) {add = true}
        %dma_wait3A_46 = arith.constant 0 : i32
        %dma_wait3A_47 = arith.constant 0 : i32
        %dma_wait3A_48 = tpu.memref_slice %arg10[%dma_wait3A_46, %dma_wait3A_47] : memref<100000x1xf32, #tpu.memory_space<vmem_shared>> -> memref<100000x1xf32, #tpu.memory_space<vmem_shared>>
        tpu.wait_indirect_dma semaphore(%run_scoped3A : memref<!tpu.dma_semaphore, #tpu.memory_space<semaphore_mem>>) src(%arg7 : memref<2000x1xf32, #tpu.memory_space<vmem>>) dst(%dma_wait3A_48 : memref<100000x1xf32, #tpu.memory_space<vmem_shared>>)
        tpu.yield
      }) : () -> ()
    }
    %scan3A_10 = arith.constant 100 : i32
    %barrier3A_11 = arith.constant 0 : index
    tpu.barrier barrier_id(%barrier3A_11)
    %lt3A_12 = arith.constant 15 : i32
    %lt3A_13 = arith.cmpi slt, %arg1, %lt3A_12 : i32
    %convert_element_type3A_14 = arith.extui %lt3A_13 : i1 to i32
    %cond3A_15 = arith.constant 0 : i32
    %cond3A_16 = arith.cmpi ne, %convert_element_type3A_14, %cond3A_15 : i32
    scf.if %cond3A_16 {
      %mul3A = arith.constant 6256 : i32
      %mul3A_22 = arith.muli %arg1, %mul3A : i32
      %multiple_of3A = tpu.assume_multiple %mul3A_22, 8 : i32
      "tpu.region"() ({
        %run_scoped3A = tpu.sem_alloc : memref<!tpu.dma_semaphore, #tpu.memory_space<semaphore_mem>>
        %dma_start3A = arith.constant 0 : i32
        %dma_start3A_23 = tpu.memref_slice %arg4[%arg0, %multiple_of3A, %dma_start3A] : memref<2x100000x1xf32, #tpu.memory_space<hbm>> -> memref<1x6256x1xf32, #tpu.memory_space<hbm>>
        %dma_start3A_24 = tpu.memref_squeeze %dma_start3A_23 : memref<1x6256x1xf32, #tpu.memory_space<hbm>> -> memref<6256x1xf32, #tpu.memory_space<hbm>>
        %dma_start3A_25 = arith.constant 0 : i32
        %dma_start3A_26 = tpu.memref_slice %arg10[%multiple_of3A, %dma_start3A_25] : memref<100000x1xf32, #tpu.memory_space<vmem_shared>> -> memref<6256x1xf32, #tpu.memory_space<vmem_shared>>
        tpu.enqueue_dma source(%dma_start3A_26 : memref<6256x1xf32, #tpu.memory_space<vmem_shared>>) target(%dma_start3A_24 : memref<6256x1xf32, #tpu.memory_space<hbm>>) target_semaphore(%run_scoped3A : memref<!tpu.dma_semaphore, #tpu.memory_space<semaphore_mem>>)
        %dma_wait3A = arith.constant 0 : i32
        %dma_wait3A_27 = tpu.memref_slice %arg4[%arg0, %multiple_of3A, %dma_wait3A] : memref<2x100000x1xf32, #tpu.memory_space<hbm>> -> memref<1x6256x1xf32, #tpu.memory_space<hbm>>
        %dma_wait3A_28 = tpu.memref_squeeze %dma_wait3A_27 : memref<1x6256x1xf32, #tpu.memory_space<hbm>> -> memref<6256x1xf32, #tpu.memory_space<hbm>>
        %dma_wait3A_29 = arith.constant 0 : i32
        %dma_wait3A_30 = tpu.memref_slice %arg10[%multiple_of3A, %dma_wait3A_29] : memref<100000x1xf32, #tpu.memory_space<vmem_shared>> -> memref<6256x1xf32, #tpu.memory_space<vmem_shared>>
        tpu.wait_dma2 semaphore(%run_scoped3A : memref<!tpu.dma_semaphore, #tpu.memory_space<semaphore_mem>>) src(%dma_wait3A_30 : memref<6256x1xf32, #tpu.memory_space<vmem_shared>>) dst(%dma_wait3A_28 : memref<6256x1xf32, #tpu.memory_space<hbm>>)
        tpu.yield
      }) : () -> ()
    } else {
    }
    %eq3A_17 = arith.constant 15 : i32
    %eq3A_18 = arith.cmpi eq, %arg1, %eq3A_17 : i32
    %convert_element_type3A_19 = arith.extui %eq3A_18 : i1 to i32
    %cond3A_20 = arith.constant 0 : i32
    %cond3A_21 = arith.cmpi ne, %convert_element_type3A_19, %cond3A_20 : i32
    scf.if %cond3A_21 {
      "tpu.region"() ({
        %run_scoped3A = tpu.sem_alloc : memref<!tpu.dma_semaphore, #tpu.memory_space<semaphore_mem>>
        %dma_start3A = arith.constant 93840 : i32
        %dma_start3A_22 = arith.constant 0 : i32
        %dma_start3A_23 = tpu.memref_slice %arg4[%arg0, %dma_start3A, %dma_start3A_22] : memref<2x100000x1xf32, #tpu.memory_space<hbm>> -> memref<1x6160x1xf32, #tpu.memory_space<hbm>>
        %dma_start3A_24 = tpu.memref_squeeze %dma_start3A_23 : memref<1x6160x1xf32, #tpu.memory_space<hbm>> -> memref<6160x1xf32, #tpu.memory_space<hbm>>
        %dma_start3A_25 = arith.constant 93840 : i32
        %dma_start3A_26 = arith.constant 0 : i32
        %dma_start3A_27 = tpu.memref_slice %arg10[%dma_start3A_25, %dma_start3A_26] : memref<100000x1xf32, #tpu.memory_space<vmem_shared>> -> memref<6160x1xf32, #tpu.memory_space<vmem_shared>>
        tpu.enqueue_dma source(%dma_start3A_27 : memref<6160x1xf32, #tpu.memory_space<vmem_shared>>) target(%dma_start3A_24 : memref<6160x1xf32, #tpu.memory_space<hbm>>) target_semaphore(%run_scoped3A : memref<!tpu.dma_semaphore, #tpu.memory_space<semaphore_mem>>)
        %dma_wait3A = arith.constant 93840 : i32
        %dma_wait3A_28 = arith.constant 0 : i32
        %dma_wait3A_29 = tpu.memref_slice %arg4[%arg0, %dma_wait3A, %dma_wait3A_28] : memref<2x100000x1xf32, #tpu.memory_space<hbm>> -> memref<1x6160x1xf32, #tpu.memory_space<hbm>>
        %dma_wait3A_30 = tpu.memref_squeeze %dma_wait3A_29 : memref<1x6160x1xf32, #tpu.memory_space<hbm>> -> memref<6160x1xf32, #tpu.memory_space<hbm>>
        %dma_wait3A_31 = arith.constant 93840 : i32
        %dma_wait3A_32 = arith.constant 0 : i32
        %dma_wait3A_33 = tpu.memref_slice %arg10[%dma_wait3A_31, %dma_wait3A_32] : memref<100000x1xf32, #tpu.memory_space<vmem_shared>> -> memref<6160x1xf32, #tpu.memory_space<vmem_shared>>
        tpu.wait_dma2 semaphore(%run_scoped3A : memref<!tpu.dma_semaphore, #tpu.memory_space<semaphore_mem>>) src(%dma_wait3A_33 : memref<6160x1xf32, #tpu.memory_space<vmem_shared>>) dst(%dma_wait3A_30 : memref<6160x1xf32, #tpu.memory_space<hbm>>)
        tpu.yield
      }) : () -> ()
    } else {
    }
    return
  }
}

module attributes {stable_mosaic.version = 14 : i64} {
  func.func @_dense_body(%arg0: memref<8x100000xf32, #tpu.memory_space<vmem>>, %arg1: memref<2x100000xf32, #tpu.memory_space<vmem>>, %arg2: memref<8x1xf32, #tpu.memory_space<vmem>>, %arg3: memref<8x1xf32, #tpu.memory_space<vmem>>, %arg4: memref<8x16xf32, #tpu.memory_space<vmem>>, %arg5: memref<16x100000xf32, #tpu.memory_space<vmem>>, %arg6: memref<2x100000xf32, #tpu.memory_space<vmem>>) attributes {dimension_semantics = [], scalar_prefetch = 0 : i64, scratch_operands = 0 : i64, tpu.core_type = #tpu.core_type<tc>} {
    %get3A = arith.constant 0 : index
    %get3A_0 = arith.constant 0 : index
    %get3A_1 = vector.load %arg0[%get3A, %get3A_0] : memref<8x100000xf32, #tpu.memory_space<vmem>>, vector<8x100000xf32>
    %max3A = arith.constant 0.000000e+00 : f32
    %max3A_2 = vector.broadcast %max3A : f32 to vector<8x100000xf32>
    %max3A_3 = arith.maximumf %get3A_1, %max3A_2 : vector<8x100000xf32>
    %reduce_sum3A = arith.constant dense<0.000000e+00> : vector<8xf32>
    %reduce_sum3A_4 = vector.multi_reduction <add>, %max3A_3, %reduce_sum3A [1] : vector<8x100000xf32> to vector<8xf32>
    %broadcast_in_dim3A = vector.shape_cast %reduce_sum3A_4 : vector<8xf32> to vector<8x1xf32>
    %div3A = arith.constant 1.000000e+05 : f32
    %div3A_5 = vector.broadcast %div3A : f32 to vector<8x1xf32>
    %div3A_6 = arith.divf %broadcast_in_dim3A, %div3A_5 : vector<8x1xf32>
    %sub3A = vector.broadcast %div3A_6 : vector<8x1xf32> to vector<8x100000xf32>
    %sub3A_7 = arith.subf %max3A_3, %sub3A : vector<8x100000xf32>
    %integer_pow3A = arith.mulf %sub3A_7, %sub3A_7 : vector<8x100000xf32>
    %reduce_sum3A_8 = arith.constant dense<0.000000e+00> : vector<8xf32>
    %reduce_sum3A_9 = vector.multi_reduction <add>, %integer_pow3A, %reduce_sum3A_8 [1] : vector<8x100000xf32> to vector<8xf32>
    %broadcast_in_dim3A_10 = vector.shape_cast %reduce_sum3A_9 : vector<8xf32> to vector<8x1xf32>
    %div3A_11 = arith.constant 1.000000e+05 : f32
    %div3A_12 = vector.broadcast %div3A_11 : f32 to vector<8x1xf32>
    %div3A_13 = arith.divf %broadcast_in_dim3A_10, %div3A_12 : vector<8x1xf32>
    %sub3A_14 = vector.broadcast %div3A_6 : vector<8x1xf32> to vector<8x100000xf32>
    %sub3A_15 = arith.subf %max3A_3, %sub3A_14 : vector<8x100000xf32>
    %add3A = arith.constant 9.99999974E-6 : f32
    %add3A_16 = vector.broadcast %add3A : f32 to vector<8x1xf32>
    %add3A_17 = arith.addf %div3A_13, %add3A_16 : vector<8x1xf32>
    %rsqrt3A = math.rsqrt %add3A_17 : vector<8x1xf32>
    %mul3A = vector.broadcast %rsqrt3A : vector<8x1xf32> to vector<8x100000xf32>
    %mul3A_18 = arith.mulf %sub3A_15, %mul3A : vector<8x100000xf32>
    %get3A_19 = arith.constant 0 : index
    %get3A_20 = arith.constant 0 : index
    %get3A_21 = vector.load %arg2[%get3A_19, %get3A_20] : memref<8x1xf32, #tpu.memory_space<vmem>>, vector<8x1xf32>
    %mul3A_22 = vector.broadcast %get3A_21 : vector<8x1xf32> to vector<8x100000xf32>
    %mul3A_23 = arith.mulf %mul3A_18, %mul3A_22 : vector<8x100000xf32>
    %get3A_24 = arith.constant 0 : index
    %get3A_25 = arith.constant 0 : index
    %get3A_26 = vector.load %arg3[%get3A_24, %get3A_25] : memref<8x1xf32, #tpu.memory_space<vmem>>, vector<8x1xf32>
    %add3A_27 = vector.broadcast %get3A_26 : vector<8x1xf32> to vector<8x100000xf32>
    %add3A_28 = arith.addf %mul3A_23, %add3A_27 : vector<8x100000xf32>
    %get3A_29 = arith.constant 0 : index
    %get3A_30 = arith.constant 0 : index
    %get3A_31 = vector.load %arg4[%get3A_29, %get3A_30] : memref<8x16xf32, #tpu.memory_space<vmem>>, vector<8x16xf32>
    %dot_general3A = arith.constant dense<0.000000e+00> : vector<16x100000xf32>
    %dot_general3A_32 = tpu.matmul %get3A_31, %add3A_28, %dot_general3A {dimension_numbers = #tpu.dot_dimension_numbers<[0], [0], [1], [1], [0, 1, 1, 1], [], []>, transpose_lhs_hint = false} : vector<8x16xf32>, vector<8x100000xf32>, vector<16x100000xf32> -> vector<16x100000xf32>
    %get3A_33 = arith.constant 0 : index
    %get3A_34 = arith.constant 0 : index
    %get3A_35 = vector.load %arg1[%get3A_33, %get3A_34] : memref<2x100000xf32, #tpu.memory_space<vmem>>, vector<2x100000xf32>
    %rsqrt3A_36 = math.rsqrt %get3A_35 : vector<2x100000xf32>
    %slice3A = vector.extract_strided_slice %rsqrt3A_36 {offsets = [0, 0], sizes = [1, 100000], strides = [1, 1]} : vector<2x100000xf32> to vector<1x100000xf32>
    %broadcast_in_dim3A_37 = vector.shape_cast %slice3A : vector<1x100000xf32> to vector<1x100000xf32>
    %broadcast_in_dim3A_38 = vector.broadcast %broadcast_in_dim3A_37 : vector<1x100000xf32> to vector<8x100000xf32>
    %slice3A_39 = vector.extract_strided_slice %rsqrt3A_36 {offsets = [1, 0], sizes = [1, 100000], strides = [1, 1]} : vector<2x100000xf32> to vector<1x100000xf32>
    %broadcast_in_dim3A_40 = vector.shape_cast %slice3A_39 : vector<1x100000xf32> to vector<1x100000xf32>
    %broadcast_in_dim3A_41 = vector.broadcast %broadcast_in_dim3A_40 : vector<1x100000xf32> to vector<8x100000xf32>
    %concatenate3A = tpu.concatenate %broadcast_in_dim3A_38, %broadcast_in_dim3A_41 in 0 : vector<8x100000xf32>, vector<8x100000xf32> -> vector<16x100000xf32>
    %mul3A_42 = arith.mulf %dot_general3A_32, %concatenate3A : vector<16x100000xf32>
    %swap3A = arith.constant 0 : index
    %swap3A_43 = arith.constant 0 : index
    %swap3A_44 = vector.load %arg5[%swap3A, %swap3A_43] : memref<16x100000xf32, #tpu.memory_space<vmem>>, vector<16x100000xf32>
    tpu.vector_store %arg5[%swap3A, %swap3A_43], %mul3A_42 {strides = array<i32>} : memref<16x100000xf32, #tpu.memory_space<vmem>>, vector<16x100000xf32>,
    %swap3A_45 = arith.constant 0 : index
    %swap3A_46 = arith.constant 0 : index
    %swap3A_47 = vector.load %arg6[%swap3A_45, %swap3A_46] : memref<2x100000xf32, #tpu.memory_space<vmem>>, vector<2x100000xf32>
    tpu.vector_store %arg6[%swap3A_45, %swap3A_46], %rsqrt3A_36 {strides = array<i32>} : memref<2x100000xf32, #tpu.memory_space<vmem>>, vector<2x100000xf32>,
    return
  }
}

module attributes {stable_mosaic.version = 14 : i64} {
  func.func @_final_body(%arg0: memref<2x8x100000xf32, #tpu.memory_space<vmem>>, %arg1: memref<2x100000xf32, #tpu.memory_space<vmem>>, %arg2: memref<16x1xf32, #tpu.memory_space<vmem>>, %arg3: memref<16x100000xf32, #tpu.memory_space<vmem>>) attributes {dimension_semantics = [], scalar_prefetch = 0 : i64, scratch_operands = 0 : i64, tpu.core_type = #tpu.core_type<tc>} {
    %get3A = arith.constant 0 : index
    %get3A_0 = arith.constant 0 : index
    %get3A_1 = vector.load %arg1[%get3A, %get3A_0] : memref<2x100000xf32, #tpu.memory_space<vmem>>, vector<2x100000xf32>
    %slice3A = vector.extract_strided_slice %get3A_1 {offsets = [0, 0], sizes = [1, 100000], strides = [1, 1]} : vector<2x100000xf32> to vector<1x100000xf32>
    %get3A_2 = arith.constant 0 : index
    %get3A_3 = arith.constant 0 : index
    %get3A_4 = arith.constant 0 : index
    %get3A_5 = vector.load %arg0[%get3A_2, %get3A_3, %get3A_4] : memref<2x8x100000xf32, #tpu.memory_space<vmem>>, vector<1x8x100000xf32>
    %get3A_6 = vector.shape_cast %get3A_5 : vector<1x8x100000xf32> to vector<8x100000xf32>
    %mul3A = vector.broadcast %slice3A : vector<1x100000xf32> to vector<8x100000xf32>
    %mul3A_7 = arith.mulf %mul3A, %get3A_6 : vector<8x100000xf32>
    %get3A_8 = arith.constant 0 : index
    %get3A_9 = arith.constant 0 : index
    %get3A_10 = vector.load %arg2[%get3A_8, %get3A_9] : memref<16x1xf32, #tpu.memory_space<vmem>>, vector<8x1xf32>
    %add3A = vector.broadcast %get3A_10 : vector<8x1xf32> to vector<8x100000xf32>
    %add3A_11 = arith.addf %mul3A_7, %add3A : vector<8x100000xf32>
    %slice3A_12 = vector.extract_strided_slice %get3A_1 {offsets = [1, 0], sizes = [1, 100000], strides = [1, 1]} : vector<2x100000xf32> to vector<1x100000xf32>
    %get3A_13 = arith.constant 1 : index
    %get3A_14 = arith.constant 0 : index
    %get3A_15 = arith.constant 0 : index
    %get3A_16 = vector.load %arg0[%get3A_13, %get3A_14, %get3A_15] : memref<2x8x100000xf32, #tpu.memory_space<vmem>>, vector<1x8x100000xf32>
    %get3A_17 = vector.shape_cast %get3A_16 : vector<1x8x100000xf32> to vector<8x100000xf32>
    %mul3A_18 = vector.broadcast %slice3A_12 : vector<1x100000xf32> to vector<8x100000xf32>
    %mul3A_19 = arith.mulf %mul3A_18, %get3A_17 : vector<8x100000xf32>
    %get3A_20 = arith.constant 8 : index
    %get3A_21 = arith.constant 0 : index
    %get3A_22 = vector.load %arg2[%get3A_20, %get3A_21] : memref<16x1xf32, #tpu.memory_space<vmem>>, vector<8x1xf32>
    %add3A_23 = vector.broadcast %get3A_22 : vector<8x1xf32> to vector<8x100000xf32>
    %add3A_24 = arith.addf %mul3A_19, %add3A_23 : vector<8x100000xf32>
    %concatenate3A = tpu.concatenate %add3A_11, %add3A_24 in 0 : vector<8x100000xf32>, vector<8x100000xf32> -> vector<16x100000xf32>
    %swap3A = arith.constant 0 : index
    %swap3A_25 = arith.constant 0 : index
    %swap3A_26 = vector.load %arg3[%swap3A, %swap3A_25] : memref<16x100000xf32, #tpu.memory_space<vmem>>, vector<16x100000xf32>
    tpu.vector_store %arg3[%swap3A, %swap3A_25], %concatenate3A {strides = array<i32>} : memref<16x100000xf32, #tpu.memory_space<vmem>>, vector<16x100000xf32>,
    return
  }
}

</mosaic_0001>

<sc_bundles>
// kernel: kernel.6.cloned.1.call-start
scs
__scs_entry_jumppad:
0x0: {  	(pc) =	sbr.rel $0x88, $3  }
0x1: {  	(tag) =	ssettag $0x0;
	lr =	simm.s32 $0x1  }
0x2: {  	[smem:$0x3F99] =	sst lr;
	_ =	strace $0xD0000000  }
0x3: {  	_ = 	snop  }
0x4: {  	_ = 	snop  }
0x5: {  	_ = 	snop  }
0x6: {  	_ = 	snop  }
0x7: {  	_ = 	snop  }
__scs_overlays_trampoline_lowered:
0x8: {  	[smem:$0x3FA8] =	sst s0  }
0x9: {  	[smem:$0x3FA9] =	sst s1  }
0xa: {  	[smem:$0x3FAA] =	sst s2  }
0xb: {  	[smem:$0x3FAB] =	sst s3  }
0xc: {  	[smem:$0x3FAC] =	sst s4  }
0xd: {  	[smem:$0x3FAD] =	sst s5  }
0xe: {  	[smem:$0x3FAE] =	sst s6  }
0xf: {  	[smem:$0x3FAF] =	sst s7  }
0x10: {  	[smem:$0x3FB0] =	sst s8  }
0x11: {  	[smem:$0x3FB1] =	sst s9;
	s0 =	simm.s32 @!p0 $0x0  }
0x12: {  	s1 =	sld [smem:$0x3F97];
	s0 =	simm.s32 @p0 $0x1  }
0x13: {  	[smem:$0x3FB2] =	sst s0;
	s0 =	simm.s32 @!p1 $0x0  }
0x14: {  	s2 =	sld [smem:$0x3F96];
	s0 =	simm.s32 @p1 $0x1  }
0x15: {  	[smem:$0x3FB3] =	sst s0;
	s0 =	simm.s32 @!p2 $0x0  }
0x16: {  	s3 =	sld [smem:$0x3FDB];
	s0 =	simm.s32 @p2 $0x1  }
0x17: {  	s4 =	simm.s32 $0x1BF5;
	[smem:$0x3FB5] =	sst s0  }
0x18: {  	s0 =	sld [smem:$0x3F98];
	_ =	swait.ge [sflag:s4], $0x0  }
0x19: {  	s7 =	sld [smem:$0x3F99]  }
0x1a: {  	s8 =	sadd.s32 $0xFFFFE003, lr  }
0x1b: {  	s9 =	sadd.s32 $0xFFFFFEF7, lr;
	s5 =	simm.s32 $0xFFFFFFFF;
	p2 =	slt.u32 s8, $0xFFFFF086  }
0x1c: {  	p1 =	slt.u32 s9, $0xF7A;
	s5 =	simm.s32 @!p2 $0x0  }
0x1d: {  	s5 =	simm.s32 @p1 $0x1;
	p0 =	seq.s32 s7, s2  }
0x1e: {  	s7 =	smul.u32 @!p0 $0xF7A, s2;
	p2 =	seq.s32 @!p0 s5, $0x0  }
0x1f: {  	s9 =	smul.u32 $0xF7A, s1;
	s8 =	simm.s32 @!p0 $0x1BF5;
	p2 =	por !p2, p0  }
0x20: {  	[sflag:s8] =	ssyncset.s32 @!p0 $0xFFFFF086;
	s6 =	sadd.s32 @!p0 s3, s7;
	s7 =	simm.s32 @!p0 $0x108  }
0x21: {  	s3 =	sadd.s32 s3, s9;
	s6 =	sadd.s32 @!p0 $0x88, s6;
	s7 =	simm.s32 @p2 $0x1082  }
0x22: {  	[simem:s7], [sflag:s8] =	dma.local @!p0 [hbm:s6], $0xF7A  }
0x23: {  	s9 =	sor.u32 $0xD0000000, s2;
	s6 =	simm.s32 $0x108;
	_ =	swait.ge @!p0 [sflag:s8], $0x0  }
0x24: {  	s3 =	sadd.s32 $0x88, s3;
	s6 =	simm.s32 @!p1 $0x1082;
	[sflag:s4] =	ssyncset.s32 $0xFFFFF086  }
0x25: {  	[simem:s6], [sflag:s4] =	dma.local [hbm:s3], $0xF7A  }
0x26: {  	[smem:$0x3F99] =	sst s1;
	(tag) =	ssettag s2;
	_ =	strace s9  }
0x27: {  	s1 =	sld [smem:$0x3FA9]  }
0x28: {  	s2 =	sld [smem:$0x3FAA]  }
0x29: {  	s4 =	sld [smem:$0x3FAC]  }
0x2a: {  	p0 =	seq.s32 s5, $0x0;
	s5 =	sld [smem:$0x3FAD]  }
0x2b: {  	s6 =	sld [smem:$0x3FAE]  }
0x2c: {  	s7 =	sld [smem:$0x3FAF]  }
0x2d: {  	s3 =	simm.s32 $0x108;
	s8 =	sld [smem:$0x3FB0]  }
0x2e: {  	s3 =	simm.s32 @!p0 $0x1082;
	s9 =	sld [smem:$0x3FB1]  }
0x2f: {  	lr =	sadd.s32 s0, s3;
	s0 =	sld [smem:$0x3FA8]  }
0x30: {  	s3 =	sld [smem:$0x3FAB]  }
0x31: {  	[smem:$0x3FB4] =	sst s10  }
0x32: {  	s10 =	sld [smem:$0x3FB2];
	_ =	sdelay $0x3  }
0x33: {  	p0 =	seq.s32 s10, $0x1;
	s10 =	sld [smem:$0x3FB4];
	_ =	sdelay $0x3  }
0x34: {  	[smem:$0x3FB4] =	sst s10  }
0x35: {  	s10 =	sld [smem:$0x3FB3];
	_ =	sdelay $0x3  }
0x36: {  	p1 =	seq.s32 s10, $0x1;
	s10 =	sld [smem:$0x3FB4];
	_ =	sdelay $0x3  }
0x37: {  	[smem:$0x3FB4] =	sst s10  }
0x38: {  	s10 =	sld [smem:$0x3FB5]  }
0x39: {  	_ = 	snop;
	(pc) =	sbr.ind lr, $3  }
0x3a: {  	_ = 	snop  }
0x3b: {  	_ = 	snop  }
0x3c: {  	p2 =	seq.s32 s10, $0x1;
	s10 =	sld [smem:$0x3FB4]  }
0x3d: {  	_ =	shalt  }
0x3e: {  	_ =	shalt  }
0x3f: {  	_ =	shalt  }
0x40: {  	_ =	shalt  }
0x41: {  	_ =	shalt  }
0x42: {  	_ =	shalt  }
0x43: {  	_ =	shalt  }
0x44: {  	_ =	shalt  }
0x45: {  	_ =	shalt  }
0x46: {  	_ =	shalt  }
0x47: {  	_ =	shalt  }
0x48: {  	_ =	shalt  }
0x49: {  	_ =	shalt  }
0x4a: {  	_ =	shalt  }
0x4b: {  	_ =	shalt  }
0x4c: {  	_ =	shalt  }
0x4d: {  	_ =	shalt  }
0x4e: {  	_ =	shalt  }
0x4f: {  	_ =	shalt  }
0x50: {  	_ =	shalt  }
0x51: {  	_ =	shalt  }
0x52: {  	_ =	shalt  }
0x53: {  	_ =	shalt  }
0x54: {  	_ =	shalt  }
0x55: {  	_ =	shalt  }
0x56: {  	_ =	shalt  }
0x57: {  	_ =	shalt  }
0x58: {  	_ =	shalt  }
0x59: {  	_ =	shalt  }
0x5a: {  	_ =	shalt  }
0x5b: {  	_ =	shalt  }
0x5c: {  	_ =	shalt  }
0x5d: {  	_ =	shalt  }
0x5e: {  	_ =	shalt  }
0x5f: {  	_ =	shalt  }
0x60: {  	_ =	shalt  }
0x61: {  	_ =	shalt  }
0x62: {  	_ =	shalt  }
0x63: {  	_ =	shalt  }
0x64: {  	_ =	shalt  }
0x65: {  	_ =	shalt  }
0x66: {  	_ =	shalt  }
0x67: {  	_ =	shalt  }
0x68: {  	_ =	shalt  }
0x69: {  	_ =	shalt  }
0x6a: {  	_ =	shalt  }
0x6b: {  	_ =	shalt  }
0x6c: {  	_ =	shalt  }
0x6d: {  	_ =	shalt  }
0x6e: {  	_ =	shalt  }
0x6f: {  	_ =	shalt  }
0x70: {  	_ =	shalt  }
0x71: {  	_ =	shalt  }
0x72: {  	_ =	shalt  }
0x73: {  	_ =	shalt  }
0x74: {  	_ =	shalt  }
0x75: {  	_ =	shalt  }
0x76: {  	_ =	shalt  }
0x77: {  	_ =	shalt  }
0x78: {  	_ =	shalt  }
0x79: {  	_ =	shalt  }
0x7a: {  	_ =	shalt  }
0x7b: {  	_ =	shalt  }
0x7c: {  	_ =	shalt  }
0x7d: {  	_ =	shalt  }
0x7e: {  	_ =	shalt  }
0x7f: {  	_ =	shalt  }
0x80: {  	_ =	shalt  }
0x81: {  	_ =	shalt  }
0x82: {  	_ =	shalt  }
0x83: {  	_ =	shalt  }
0x84: {  	_ =	shalt  }
0x85: {  	_ =	shalt  }
0x86: {  	_ =	shalt  }
0x87: {  	_ =	shalt  }
.Lfunc_end0:
.L_simem_size_0:
called_computation_lowered:
.L_overlay_start_0:
0x88: {  	s2 =	sld [smem:$0x3FD9]  }
0x89: {  	s3 =	sld [smem:$0x3FFE];
	_ =	sdelay $0x1  }
0x8a: {  	s1 =	srdreg.scid  }
0x8b: {  	s0 =	sand.u32 $0x1, s1  }
0x8c: {  	s17 =	sshll.u32 s0, $0xA;
	s2 =	sadd.s32 s3, s2  }
0x8d: {  	s2 =	sadd.s32 s2, s17  }
0x8e: {  	[smem:$0x3FC0] =	sst s2  }
0x8f: {  	_ = 	snop  }
0x90: {  	s2 =	sld [smem:$0x3FD0];
	(tm) =	ssettm $0x1  }
0x91: {  	s18 =	sld [smem:$0x3FFB];
	_ =	sdelay $0x3  }
0x92: {  	_ =	strace s18  }
0x93: {  	s3 =	sld [smem:$0x3FFC];
	_ =	sdelay $0x3  }
0x94: {  	_ =	strace s3  }
0x95: {  	s3 =	sld [smem:$0x3FFD];
	_ =	sdelay $0x3  }
0x96: {  	_ =	strace s3  }
0x97: {  	_ =	strace $0x8FFFFFFF  }
0x98: {  	s19 =	sld [smem:$0x3FDB];
	_ =	sdelay $0x1  }
0x99: {  	s4 =	simm.s32 $_scs_section_size  }
0x9a: {  	s5 =	simm.s32 $_size__tile_overlayer_lowered;
	s6 =	simm.s32 $_tile_overlayer_lowered  }
0x9b: {  	s22 =	simm.s32 $0x1BFF;
	s21 =	sshll.u32 s6, $0x1;
	s3 =	sadd.s32 s4, s19  }
0x9c: {  	s7 =	simm.s32 $0x0;
	s20 =	sshll.u32 s5, $0x1;
	s5 =	sadd.s32 s21, s3  }
0x9d: {  	[timem:s7], [sflag:s22] =	dma.local [hbm:s5], s20  }
0x9e: {  	_ =	swait.ge [sflag:s22], s20  }
0x9f: {  	s4 =	ssub.s32 $0x0, s20;
	[sflag:s22] =	ssyncset.done $0x0  }
0xa0: {  	[sflag:s22] =	ssyncadd.s32 s4;
	_ =	sdelay $0x1  }
0xa1: {  	s23 =	simm.s32 $0x1B8B  }
0xa2: {  	_ =	swait.ge [sflag:s23], $0x1  }
0xa3: {  	[sflag:s23] =	ssyncset.done $0x0  }
0xa4: {  	s25 =	simm.s32 $0x1B8E;
	s24 =	sld [smem:$0x3FFE];
	[sflag:s23] =	ssyncadd.s32 $0xFFFFFFFF  }
0xa5: {  	s26 =	simm.s32 $execute0_lowered;
	[smem:$0x3FD2] =	sst s25  }
0xa6: {  	s5 =	sshll.u32 s26, $0x1;
	_ =	strace $0x80000046;
	[dreg:$0x1] =	wrdreg $0xFFFFFFFF  }
0xa7: {  	s28 =	simm.s32 $_size_execute0_lowered;
	s3 =	sadd.s32 s3, s5;
	[dreg:$0x0] =	wrdreg $0x0  }
0xa8: {  	s5 =	sshll.u32 s28, $0x1;
	[dreg:$0x2] =	wrdreg s3  }
0xa9: {  	[dreg:$0x3] =	wrdreg s5  }
0xaa: {  	[dreg:$0x4] =	wrdreg $0xC0  }
0xab: {  	_ =	task [dreg:s7], $0x5FFFF  }
0xac: {  	[dreg:$0x1] =	wrdreg $0xFFFFFFFF  }
0xad: {  	[dreg:$0x0] =	wrdreg $0x60  }
0xae: {  	[dreg:$0x2] =	wrdreg s2  }
0xaf: {  	[dreg:$0x3] =	wrdreg s24  }
0xb0: {  	[dreg:$0x4] =	wrdreg $0x4E200  }
0xb1: {  	[dreg:$0x5] =	wrdreg $0x66900  }
0xb2: {  	[dreg:$0x6] =	wrdreg $0x9  }
0xb3: {  	_ =	task.clear_ibuf [dreg:s7], $0x7FFFF;
	_ =	strace $0x90000046  }
0xb4: {  	s29 =	simm.s32 $0x9;
	_ =	strace $0x80000048  }
0xb5: {  	_ =	swait.ge [sflag:s29], $0x1  }
0xb6: {  	[sflag:s29] =	ssyncadd.s32 $0xFFFFFFFF  }
0xb7: {  	_ =	strace $0x90000048  }
0xb8: {  	_ =	sfence  }
0xb9: {  	s30 =	sld [smem:$0x0];
	_ =	sdelay $0x2  }
0xba: {  	s31 =	sshll.u32 s1, $0xD;
	s1 =	sshrl.u32 s1, $0x2  }
0xbb: {  	s3 =	sand.u32 $0x4000, s31;
	s1 =	sadd.s32 s1, s30  }
0xbc: {  	s0 =	sor.u32 s3, s0;
	s1 =	sshll.u32 s1, $0x11  }
0xbd: {  	s0 =	sor.u32 s1, s0  }
0xbe: {  	s0 =	sadd.s32 $0x8F2B, s0  }
0xbf: {  	[sflag:s0] =	ssyncadd.remote.s32 $0x1  }
0xc0: {  	_ =	sfence.sel $0xFFFF  }
0xc1: {  	[dreg:$0x0] =	wrdreg $0xFFFFFFFF;
	(pc) =	sbr.abs _section_cstart, $3  }
0xc2: {  	[dreg:$0x1] =	wrdreg $0xFFFFFFFF  }
0xc3: {  	_ =	task.clear_ibuf [dreg:s7], $0x2FFFF;
	_ =	strace $0x9FFFFFFF  }
0xc4: {  	(tm) =	ssettm $0x7FFFFFFF  }
0xc5: {  	_ =	shalt  }
tec
execute0_lowered:
.L_overlay_start_1:
0x0: {  	(tag) =	ssettag $0x1  }
0x1: {  	s6 =	rddreg [dreg:$0x0]  }
0x2: {  	s5 =	rddreg [dreg:$0x1]  }
0x3: {  	s1 =	rddreg [dreg:$0x2]  }
0x4: {  	s2 =	rddreg [dreg:$0x3]  }
0x5: {  	s0 =	rddreg [dreg:$0x4]  }
0x6: {  	s4 =	simm.s32 $0x0;
	s3 =	srdreg.scid;
	s20 =	simm.s32 $0x1  }
0x7: {  	s21 =	simm.s32 $0x0;
	[smem:$0x7FF] =	sst s4;
	s7 =	sand.u32 $0x1, s3  }
0x8: {  	s3 =	stileid.u32;
	s11 =	sadd.s32 $0x1800, s5;
	s8 =	smul.u32 $0xC3500, s7  }
0x9: {  	s12 =	sadd.s32 $0xC4E00, s5;
	s18 =	sadd.s32 $0xB7480, s1;
	s10 =	smul.u32 $0xC380, s3  }
0xa: {  	s19 =	sadd.s32 $0xB7480, s2;
	_ =	strace $0x80000047;
	s14 =	smul.u32 $0x30D40, s3  }
0xb: {  	s9 =	ssub.s32 $0x2, s7;
	s16 =	sxor.u32 $0x1, s7;
	s7 =	smul.u32 $0x30D400, s7  }
0xc: {  	p0 =	seq.s32 s3, $0xF;
	s28 =	sshrl.u32 s9, $0x1;
	s16 =	smul.u32 $0x30D400, s16  }
0xd: {  	s9 =	ssub.s32 s9, s28;
	s29 =	sadd.s32 s10, s8;
	s15 =	sadd.s32 s10, s1  }
0xe: {  	s8 =	sshrl.u32 s8, $0x3;
	s17 =	sadd.s32 s10, s2;
	s30 =	sadd.s32 s7, s14  }
0xf: {  	s13 =	sshrl.u32 s29, $0x3;
	s8 =	sadd.s32 $0x16E90, s8;
	s16 =	sadd.s32 s16, s14  }
0x10: {  	s9 =	smax.u32 s9, $0x1;
	s10 =	sshrl.u32 s30, $0x3;
	s14 =	sshll.u32 @!p0 s3, $0x6  }
0x11: {  	s15 =	sshrl.u32 @!p0 s15, $0x3;
	s5 =	sadd.s32 s6, s13;
	s6 =	sadd.s32 s6, s8  }
0x12: {  	s7 =	sadd.s32 s12, s13;
	s8 =	sadd.s32 s12, s8;
	s10 =	sadd.s32 s10, s11  }
0x13: {  	s31 =	sshrl.u32 s16, $0x3;
	s12 =	sshrl.u32 @p0 s18, $0x3;
	s13 =	sshrl.u32 @p0 s19, $0x3  }
0x14: {  	s14 =	sor.u32 @!p0 $0x1C02, s14;
	s16 =	sshrl.u32 @!p0 s17, $0x3;
	s17 =	simm.s32 $0x2  }
0x15: {  	s18 =	simm.s32 $0x7D0;
	s19 =	simm.s32 $0xFA0;
	s11 =	sadd.s32 s31, s11  }
.LBB2_1:
0x16: {  	s22 =	simm.s32 @p0 $0x1FC2;
	s23 =	simm.s32 @p0 $0x2  }
0x17: {  	[spmem:s12], [sflag:s22] =	dma.local @p0 [hbm:s6], $0x1810  }
0x18: {  	_ =	swait.ge @p0 [sflag:s23], $0x1810  }
0x19: {  	[sflag:s23] =	ssyncset.done @p0 $0x0  }
0x1a: {  	[sflag:s23] =	ssyncadd.s32 @p0 $0xFFFFE7F0  }
0x1b: {  	[spmem:s13], [sflag:s22] =	dma.local @p0 [hbm:s6], $0x1810  }
0x1c: {  	_ =	swait.ge @p0 [sflag:s23], $0x1810  }
0x1d: {  	[sflag:s23] =	ssyncset.done @p0 $0x0  }
0x1e: {  	s22 =	simm.s32 @!p0 $0x2;
	[sflag:s23] =	ssyncadd.s32 @p0 $0xFFFFE7F0  }
0x1f: {  	[spmem:s15], [sflag:s14] =	dma.local @!p0 [hbm:s5], $0x1870  }
0x20: {  	_ =	swait.ge @!p0 [sflag:s22], $0x1870  }
0x21: {  	[sflag:s22] =	ssyncset.done @!p0 $0x0  }
0x22: {  	[sflag:s22] =	ssyncadd.s32 @!p0 $0xFFFFE790  }
0x23: {  	[spmem:s16], [sflag:s14] =	dma.local @!p0 [hbm:s5], $0x1870  }
0x24: {  	_ =	swait.ge @!p0 [sflag:s22], $0x1870  }
0x25: {  	[sflag:s22] =	ssyncset.done @!p0 $0x0  }
0x26: {  	[sflag:s22] =	ssyncadd.s32 @!p0 $0xFFFFE790  }
0x27: {  	s30 =	sadd.s32 $0x0, s10;
	[bflag:$0x0] =	sbarrier.arrive $0xFFFF  }
0x28: {  	[tilespmem:s4], [sflag:$0x2] =	stream.linear.gather [hbm4b:s30+s4], $0x7D0, $0x38;
	[tilespmem:$0x7F00] =	vst v63  }
0x29: {  	_ =	swait.ge [sflag:s17], $0x7D0  }
0x2a: {  	[sflag:s17] =	ssyncset.done $0x0  }
0x2b: {  	s31 =	sadd.s32 $0x0, s11;
	[sflag:s17] =	ssyncadd.s32 $0xFFFFF830  }
0x2c: {  	[tilespmem:s18], [sflag:$0x2] =	stream.linear.gather [hbm4b:s31+s4], $0x7D0, $0x38;
	[tilespmem:$0x7F00] =	vst v63  }
0x2d: {  	_ =	swait.ge [sflag:s17], $0x7D0  }
0x2e: {  	[sflag:s17] =	ssyncset.done $0x0  }
0x2f: {  	[sflag:s17] =	ssyncadd.s32 $0xFFFFF830  }
0x30: {  	[tilespmem:s19], [sflag:$0x1] =	stream.indirect.gather [spmem:s1], $0x1, s4, s18, $0xb8;
	[tilespmem:$0x7F00] =	vst v63  }
0x31: {  	_ =	swait.ge [sflag:s20], $0x7D0  }
0x32: {  	[sflag:s20] =	ssyncset.done $0x0  }
0x33: {  	[sflag:s20] =	ssyncadd.s32 $0xFFFFF830  }
0x34: {  	[spmem:s2] =	stream.indirect.scatter.add.f32 [tilespmem:s19], [sflag:$0x2], $0x1, s18, s18, $0xb8;
	[tilespmem:$0x7F00] =	vst v63  }
0x35: {  	_ =	swait.ge [sflag:s17], $0x7D0  }
0x36: {  	s23 =	simm.s32 $0x1F4;
	s22 =	simm.s32 $0xFA;
	[sflag:s17] =	ssyncset.done $0x0  }
.LBB2_2:
0x37: {  	s24 =	sadd.s32 s22, s10  }
0x38: {  	[sflag:s17] =	ssyncadd.s32 $0xFFFFF830;
	s25 =	smov.u32 s23;
	s26 =	sadd.s32 $0xFA, s23  }
0x39: {  	[tilespmem:s4], [sflag:$0x2] =	stream.linear.gather [hbm4b:s24+s4], $0x7D0, $0x38;
	[tilespmem:$0x7F00] =	vst v63  }
0x3a: {  	p1 =	sne.s32 s23, $0x60AE;
	_ =	swait.ge [sflag:s17], $0x7D0  }
0x3b: {  	[sflag:s17] =	ssyncset.done $0x0  }
0x3c: {  	s23 =	sadd.s32 s22, s11;
	s22 =	smov.u32 s25;
	[sflag:s17] =	ssyncadd.s32 $0xFFFFF830  }
0x3d: {  	[tilespmem:s18], [sflag:$0x2] =	stream.linear.gather [hbm4b:s23+s4], $0x7D0, $0x38;
	[tilespmem:$0x7F00] =	vst v63  }
0x3e: {  	_ =	swait.ge [sflag:s17], $0x7D0  }
0x3f: {  	[sflag:s17] =	ssyncset.done $0x0  }
0x40: {  	[sflag:s17] =	ssyncadd.s32 $0xFFFFF830  }
0x41: {  	[tilespmem:s19], [sflag:$0x1] =	stream.indirect.gather [spmem:s1], $0x1, s4, s18, $0xb8;
	[tilespmem:$0x7F00] =	vst v63  }
0x42: {  	_ =	swait.ge [sflag:s20], $0x7D0  }
.Ltmp0:
0x43: {  	[sflag:s20] =	ssyncset.done $0x0;
	(pc) =	sbr.rel @p1 .LBB2_2-.Ltmp0, $4  }
0x44: {  	[sflag:s20] =	ssyncadd.s32 $0xFFFFF830  }
0x45: {  	[spmem:s2] =	stream.indirect.scatter.add.f32 [tilespmem:s19], [sflag:$0x2], $0x1, s18, s18, $0xb8;
	[tilespmem:$0x7F00] =	vst v63  }
0x46: {  	_ =	swait.ge [sflag:s17], $0x7D0  }
0x47: {  	s23 =	smov.u32 s26;
	[sflag:s17] =	ssyncset.done $0x0  }
0x48: {  	s23 =	sadd.s32 s22, s10;
	[sflag:s17] =	ssyncadd.s32 $0xFFFFF830  }
0x49: {  	[tilespmem:s4], [sflag:$0x2] =	stream.linear.gather [hbm4b:s23+s4], $0x7D0, $0x38;
	[tilespmem:$0x7F00] =	vst v63  }
0x4a: {  	_ =	swait.ge [sflag:s17], $0x7D0  }
0x4b: {  	[sflag:s17] =	ssyncset.done $0x0  }
0x4c: {  	s31 =	sadd.s32 s22, s11;
	[sflag:s17] =	ssyncadd.s32 $0xFFFFF830  }
0x4d: {  	[tilespmem:s18], [sflag:$0x2] =	stream.linear.gather [hbm4b:s31+s4], $0x7D0, $0x38;
	[tilespmem:$0x7F00] =	vst v63  }
0x4e: {  	_ =	swait.ge [sflag:s17], $0x7D0  }
0x4f: {  	[sflag:s17] =	ssyncset.done $0x0  }
0x50: {  	[sflag:s17] =	ssyncadd.s32 $0xFFFFF830  }
0x51: {  	[tilespmem:s19], [sflag:$0x1] =	stream.indirect.gather [spmem:s1], $0x1, s4, s18, $0xb8;
	[tilespmem:$0x7F00] =	vst v63  }
0x52: {  	_ =	swait.ge [sflag:s20], $0x7D0  }
0x53: {  	[sflag:s20] =	ssyncset.done $0x0  }
0x54: {  	[sflag:s20] =	ssyncadd.s32 $0xFFFFF830  }
0x55: {  	[spmem:s2] =	stream.indirect.scatter.add.f32 [tilespmem:s19], [sflag:$0x2], $0x1, s18, s18, $0xb8;
	[tilespmem:$0x7F00] =	vst v63  }
0x56: {  	_ =	swait.ge [sflag:s17], $0x7D0  }
0x57: {  	[sflag:s17] =	ssyncset.done $0x0  }
0x58: {  	[sflag:s17] =	ssyncadd.s32 $0xFFFFF830  }
0x59: {  	s22 =	simm.s32 @p0 $0x1FC2;
	[bflag:$0x0] =	sbarrier.arrive $0xFFFF  }
0x5a: {  	[hbm:s8], [sflag:s22] =	dma.local @p0 [spmem:s13], $0x1810  }
0x5b: {  	s22 =	simm.s32 @p0 $0x2  }
0x5c: {  	s21 =	sadd.s32 $0x1, s21;
	_ =	swait.ge @p0 [sflag:s22], $0x1810  }
0x5d: {  	p1 =	sne.s32 s21, s9;
	[sflag:s22] =	ssyncset.done @p0 $0x0  }
.Ltmp1:
0x5e: {  	[sflag:s22] =	ssyncadd.s32 @p0 $0xFFFFE7F0;
	s22 =	simm.s32 @!p0 $0x2;
	(pc) =	sbr.rel @p1 .LBB2_1-.Ltmp1, $4  }
0x5f: {  	[hbm:s7], [sflag:s14] =	dma.local @!p0 [spmem:s16], $0x1870  }
0x60: {  	_ =	swait.ge @!p0 [sflag:s22], $0x1870  }
0x61: {  	[sflag:s22] =	ssyncset.done @!p0 $0x0  }
0x62: {  	[sflag:s22] =	ssyncadd.s32 @!p0 $0xFFFFE790  }
0x63: {  	_ =	sfence.sel $0x180000  }
0x64: {  	[bflag:$0x0] =	sbarrier.arrive $0xFFFF  }
0x65: {  	p0 =	sne.s32 s3, $0x0;
	_ =	strace $0x90000047  }
0x66: {  	s0 =	sadd.s32 @!p0 $0x100000, s0;
	[bflag:$0x2] =	sbarrier.arrive $0xFFFF  }
0x67: {  	[sflag:s0] =	ssyncadd.tile.s32 @!p0 $0x1;
	_ =	shalt  }
.Lfunc_end2:
_tile_overlayer_lowered:
.L_overlay_start_2:
0x68: {  	(tag) =	ssettag $0x2  }
0x69: {  	s0 =	rddreg [dreg:$0x0];
	s2 =	stileid.u32  }
0x6a: {  	s1 =	rddreg [dreg:$0x1];
	p0 =	sne.s32 s2, $0x0  }
0x6b: {  	s3 =	rddreg [dreg:$0x2];
	[bflag:$0x3] =	sbarrier.arrive $0xFFFF;
	s2 =	simm.s32 @!p0 $0x1C02  }
0x6c: {  	[timem:s3], [sflag:s2] =	dma.local @!p0 [hbm:s0], s1  }
0x6d: {  	s0 =	simm.s32 @!p0 $0x2  }
0x6e: {  	_ =	swait.ge @!p0 [sflag:s0], s1  }
0x6f: {  	s1 =	ssub.s32 @!p0 $0x0, s1;
	[sflag:s0] =	ssyncset.done @!p0 $0x0  }
0x70: {  	[sflag:s0] =	ssyncadd.s32 @!p0 s1  }
0x71: {  	[bflag:$0x3] =	sbarrier.arrive $0xFFFF  }
0x72: {  	_ =	shalt  }

// kernel: kernel.9.cloned.1.call-start
scs
__scs_entry_jumppad:
0x0: {  	(pc) =	sbr.rel $0x88, $3  }
0x1: {  	(tag) =	ssettag $0x0;
	lr =	simm.s32 $0x1  }
0x2: {  	[smem:$0x3F99] =	sst lr;
	_ =	strace $0xD0000000  }
0x3: {  	_ = 	snop  }
0x4: {  	_ = 	snop  }
0x5: {  	_ = 	snop  }
0x6: {  	_ = 	snop  }
0x7: {  	_ = 	snop  }
__scs_overlays_trampoline_lowered:
0x8: {  	[smem:$0x3FA8] =	sst s0  }
0x9: {  	[smem:$0x3FA9] =	sst s1  }
0xa: {  	[smem:$0x3FAA] =	sst s2  }
0xb: {  	[smem:$0x3FAB] =	sst s3  }
0xc: {  	[smem:$0x3FAC] =	sst s4  }
0xd: {  	[smem:$0x3FAD] =	sst s5  }
0xe: {  	[smem:$0x3FAE] =	sst s6  }
0xf: {  	[smem:$0x3FAF] =	sst s7  }
0x10: {  	[smem:$0x3FB0] =	sst s8  }
0x11: {  	[smem:$0x3FB1] =	sst s9;
	s0 =	simm.s32 @!p0 $0x0  }
0x12: {  	s1 =	sld [smem:$0x3F97];
	s0 =	simm.s32 @p0 $0x1  }
0x13: {  	[smem:$0x3FB2] =	sst s0;
	s0 =	simm.s32 @!p1 $0x0  }
0x14: {  	s2 =	sld [smem:$0x3F96];
	s0 =	simm.s32 @p1 $0x1  }
0x15: {  	[smem:$0x3FB3] =	sst s0;
	s0 =	simm.s32 @!p2 $0x0  }
0x16: {  	s3 =	sld [smem:$0x3FDB];
	s0 =	simm.s32 @p2 $0x1  }
0x17: {  	s4 =	simm.s32 $0x1BF5;
	[smem:$0x3FB5] =	sst s0  }
0x18: {  	s0 =	sld [smem:$0x3F98];
	_ =	swait.ge [sflag:s4], $0x0  }
0x19: {  	s7 =	sld [smem:$0x3F99]  }
0x1a: {  	s8 =	sadd.s32 $0xFFFFE003, lr  }
0x1b: {  	s9 =	sadd.s32 $0xFFFFFEF7, lr;
	s5 =	simm.s32 $0xFFFFFFFF;
	p2 =	slt.u32 s8, $0xFFFFF086  }
0x1c: {  	p1 =	slt.u32 s9, $0xF7A;
	s5 =	simm.s32 @!p2 $0x0  }
0x1d: {  	s5 =	simm.s32 @p1 $0x1;
	p0 =	seq.s32 s7, s2  }
0x1e: {  	s7 =	smul.u32 @!p0 $0xF7A, s2;
	p2 =	seq.s32 @!p0 s5, $0x0  }
0x1f: {  	s9 =	smul.u32 $0xF7A, s1;
	s8 =	simm.s32 @!p0 $0x1BF5;
	p2 =	por !p2, p0  }
0x20: {  	[sflag:s8] =	ssyncset.s32 @!p0 $0xFFFFF086;
	s6 =	sadd.s32 @!p0 s3, s7;
	s7 =	simm.s32 @!p0 $0x108  }
0x21: {  	s3 =	sadd.s32 s3, s9;
	s6 =	sadd.s32 @!p0 $0x88, s6;
	s7 =	simm.s32 @p2 $0x1082  }
0x22: {  	[simem:s7], [sflag:s8] =	dma.local @!p0 [hbm:s6], $0xF7A  }
0x23: {  	s9 =	sor.u32 $0xD0000000, s2;
	s6 =	simm.s32 $0x108;
	_ =	swait.ge @!p0 [sflag:s8], $0x0  }
0x24: {  	s3 =	sadd.s32 $0x88, s3;
	s6 =	simm.s32 @!p1 $0x1082;
	[sflag:s4] =	ssyncset.s32 $0xFFFFF086  }
0x25: {  	[simem:s6], [sflag:s4] =	dma.local [hbm:s3], $0xF7A  }
0x26: {  	[smem:$0x3F99] =	sst s1;
	(tag) =	ssettag s2;
	_ =	strace s9  }
0x27: {  	s1 =	sld [smem:$0x3FA9]  }
0x28: {  	s2 =	sld [smem:$0x3FAA]  }
0x29: {  	s4 =	sld [smem:$0x3FAC]  }
0x2a: {  	p0 =	seq.s32 s5, $0x0;
	s5 =	sld [smem:$0x3FAD]  }
0x2b: {  	s6 =	sld [smem:$0x3FAE]  }
0x2c: {  	s7 =	sld [smem:$0x3FAF]  }
0x2d: {  	s3 =	simm.s32 $0x108;
	s8 =	sld [smem:$0x3FB0]  }
0x2e: {  	s3 =	simm.s32 @!p0 $0x1082;
	s9 =	sld [smem:$0x3FB1]  }
0x2f: {  	lr =	sadd.s32 s0, s3;
	s0 =	sld [smem:$0x3FA8]  }
0x30: {  	s3 =	sld [smem:$0x3FAB]  }
0x31: {  	[smem:$0x3FB4] =	sst s10  }
0x32: {  	s10 =	sld [smem:$0x3FB2];
	_ =	sdelay $0x3  }
0x33: {  	p0 =	seq.s32 s10, $0x1;
	s10 =	sld [smem:$0x3FB4];
	_ =	sdelay $0x3  }
0x34: {  	[smem:$0x3FB4] =	sst s10  }
0x35: {  	s10 =	sld [smem:$0x3FB3];
	_ =	sdelay $0x3  }
0x36: {  	p1 =	seq.s32 s10, $0x1;
	s10 =	sld [smem:$0x3FB4];
	_ =	sdelay $0x3  }
0x37: {  	[smem:$0x3FB4] =	sst s10  }
0x38: {  	s10 =	sld [smem:$0x3FB5]  }
0x39: {  	_ = 	snop;
	(pc) =	sbr.ind lr, $3  }
0x3a: {  	_ = 	snop  }
0x3b: {  	_ = 	snop  }
0x3c: {  	p2 =	seq.s32 s10, $0x1;
	s10 =	sld [smem:$0x3FB4]  }
0x3d: {  	_ =	shalt  }
0x3e: {  	_ =	shalt  }
0x3f: {  	_ =	shalt  }
0x40: {  	_ =	shalt  }
0x41: {  	_ =	shalt  }
0x42: {  	_ =	shalt  }
0x43: {  	_ =	shalt  }
0x44: {  	_ =	shalt  }
0x45: {  	_ =	shalt  }
0x46: {  	_ =	shalt  }
0x47: {  	_ =	shalt  }
0x48: {  	_ =	shalt  }
0x49: {  	_ =	shalt  }
0x4a: {  	_ =	shalt  }
0x4b: {  	_ =	shalt  }
0x4c: {  	_ =	shalt  }
0x4d: {  	_ =	shalt  }
0x4e: {  	_ =	shalt  }
0x4f: {  	_ =	shalt  }
0x50: {  	_ =	shalt  }
0x51: {  	_ =	shalt  }
0x52: {  	_ =	shalt  }
0x53: {  	_ =	shalt  }
0x54: {  	_ =	shalt  }
0x55: {  	_ =	shalt  }
0x56: {  	_ =	shalt  }
0x57: {  	_ =	shalt  }
0x58: {  	_ =	shalt  }
0x59: {  	_ =	shalt  }
0x5a: {  	_ =	shalt  }
0x5b: {  	_ =	shalt  }
0x5c: {  	_ =	shalt  }
0x5d: {  	_ =	shalt  }
0x5e: {  	_ =	shalt  }
0x5f: {  	_ =	shalt  }
0x60: {  	_ =	shalt  }
0x61: {  	_ =	shalt  }
0x62: {  	_ =	shalt  }
0x63: {  	_ =	shalt  }
0x64: {  	_ =	shalt  }
0x65: {  	_ =	shalt  }
0x66: {  	_ =	shalt  }
0x67: {  	_ =	shalt  }
0x68: {  	_ =	shalt  }
0x69: {  	_ =	shalt  }
0x6a: {  	_ =	shalt  }
0x6b: {  	_ =	shalt  }
0x6c: {  	_ =	shalt  }
0x6d: {  	_ =	shalt  }
0x6e: {  	_ =	shalt  }
0x6f: {  	_ =	shalt  }
0x70: {  	_ =	shalt  }
0x71: {  	_ =	shalt  }
0x72: {  	_ =	shalt  }
0x73: {  	_ =	shalt  }
0x74: {  	_ =	shalt  }
0x75: {  	_ =	shalt  }
0x76: {  	_ =	shalt  }
0x77: {  	_ =	shalt  }
0x78: {  	_ =	shalt  }
0x79: {  	_ =	shalt  }
0x7a: {  	_ =	shalt  }
0x7b: {  	_ =	shalt  }
0x7c: {  	_ =	shalt  }
0x7d: {  	_ =	shalt  }
0x7e: {  	_ =	shalt  }
0x7f: {  	_ =	shalt  }
0x80: {  	_ =	shalt  }
0x81: {  	_ =	shalt  }
0x82: {  	_ =	shalt  }
0x83: {  	_ =	shalt  }
0x84: {  	_ =	shalt  }
0x85: {  	_ =	shalt  }
0x86: {  	_ =	shalt  }
0x87: {  	_ =	shalt  }
.Lfunc_end0:
.L_simem_size_0:
called_computation.1_lowered:
.L_overlay_start_0:
0x88: {  	s2 =	sld [smem:$0x3FD9]  }
0x89: {  	s3 =	sld [smem:$0x3FFE];
	_ =	sdelay $0x1  }
0x8a: {  	s1 =	srdreg.scid  }
0x8b: {  	s0 =	sand.u32 $0x1, s1  }
0x8c: {  	s17 =	sshll.u32 s0, $0xA;
	s2 =	sadd.s32 s3, s2  }
0x8d: {  	s2 =	sadd.s32 s2, s17  }
0x8e: {  	[smem:$0x3FC0] =	sst s2  }
0x8f: {  	_ = 	snop  }
0x90: {  	s2 =	sld [smem:$0x3FD0];
	(tm) =	ssettm $0x1  }
0x91: {  	s18 =	sld [smem:$0x3FFB];
	_ =	sdelay $0x3  }
0x92: {  	_ =	strace s18  }
0x93: {  	s3 =	sld [smem:$0x3FFC];
	_ =	sdelay $0x3  }
0x94: {  	_ =	strace s3  }
0x95: {  	s3 =	sld [smem:$0x3FFD];
	_ =	sdelay $0x3  }
0x96: {  	_ =	strace s3  }
0x97: {  	_ =	strace $0x8FFFFFFF  }
0x98: {  	s19 =	sld [smem:$0x3FDB];
	_ =	sdelay $0x1  }
0x99: {  	s4 =	simm.s32 $_scs_section_size  }
0x9a: {  	s5 =	simm.s32 $_size__tile_overlayer_lowered;
	s6 =	simm.s32 $_tile_overlayer_lowered  }
0x9b: {  	s22 =	simm.s32 $0x1BFF;
	s21 =	sshll.u32 s6, $0x1;
	s3 =	sadd.s32 s4, s19  }
0x9c: {  	s7 =	simm.s32 $0x0;
	s20 =	sshll.u32 s5, $0x1;
	s5 =	sadd.s32 s21, s3  }
0x9d: {  	[timem:s7], [sflag:s22] =	dma.local [hbm:s5], s20  }
0x9e: {  	_ =	swait.ge [sflag:s22], s20  }
0x9f: {  	s4 =	ssub.s32 $0x0, s20;
	[sflag:s22] =	ssyncset.done $0x0  }
0xa0: {  	[sflag:s22] =	ssyncadd.s32 s4;
	_ =	sdelay $0x1  }
0xa1: {  	s23 =	simm.s32 $0x1B8B  }
0xa2: {  	_ =	swait.ge [sflag:s23], $0x1  }
0xa3: {  	[sflag:s23] =	ssyncset.done $0x0  }
0xa4: {  	s25 =	simm.s32 $0x1B8E;
	s24 =	sld [smem:$0x3FFE];
	[sflag:s23] =	ssyncadd.s32 $0xFFFFFFFF  }
0xa5: {  	s26 =	simm.s32 $execute0_lowered;
	[smem:$0x3FD2] =	sst s25  }
0xa6: {  	s5 =	sshll.u32 s26, $0x1;
	_ =	strace $0x80000049;
	[dreg:$0x1] =	wrdreg $0xFFFFFFFF  }
0xa7: {  	s28 =	simm.s32 $_size_execute0_lowered;
	s3 =	sadd.s32 s3, s5;
	[dreg:$0x0] =	wrdreg $0x0  }
0xa8: {  	s5 =	sshll.u32 s28, $0x1;
	[dreg:$0x2] =	wrdreg s3  }
0xa9: {  	[dreg:$0x3] =	wrdreg s5  }
0xaa: {  	[dreg:$0x4] =	wrdreg $0xC0  }
0xab: {  	_ =	task [dreg:s7], $0x5FFFF  }
0xac: {  	[dreg:$0x1] =	wrdreg $0xFFFFFFFF  }
0xad: {  	[dreg:$0x0] =	wrdreg $0x60  }
0xae: {  	[dreg:$0x2] =	wrdreg s2  }
0xaf: {  	[dreg:$0x3] =	wrdreg s24  }
0xb0: {  	[dreg:$0x4] =	wrdreg $0x4E200  }
0xb1: {  	[dreg:$0x5] =	wrdreg $0x111700  }
0xb2: {  	[dreg:$0x6] =	wrdreg $0x9  }
0xb3: {  	_ =	task.clear_ibuf [dreg:s7], $0x7FFFF;
	_ =	strace $0x90000049  }
0xb4: {  	s29 =	simm.s32 $0x9;
	_ =	strace $0x8000004B  }
0xb5: {  	_ =	swait.ge [sflag:s29], $0x1  }
0xb6: {  	[sflag:s29] =	ssyncadd.s32 $0xFFFFFFFF  }
0xb7: {  	_ =	strace $0x9000004B  }
0xb8: {  	_ =	sfence  }
0xb9: {  	s30 =	sld [smem:$0x0];
	_ =	sdelay $0x2  }
0xba: {  	s31 =	sshll.u32 s1, $0xD;
	s1 =	sshrl.u32 s1, $0x2  }
0xbb: {  	s3 =	sand.u32 $0x4000, s31;
	s1 =	sadd.s32 s1, s30  }
0xbc: {  	s0 =	sor.u32 s3, s0;
	s1 =	sshll.u32 s1, $0x11  }
0xbd: {  	s0 =	sor.u32 s1, s0  }
0xbe: {  	s0 =	sadd.s32 $0x8F2B, s0  }
0xbf: {  	[sflag:s0] =	ssyncadd.remote.s32 $0x1  }
0xc0: {  	_ =	sfence.sel $0xFFFF  }
0xc1: {  	[dreg:$0x0] =	wrdreg $0xFFFFFFFF;
	(pc) =	sbr.abs _section_cstart, $3  }
0xc2: {  	[dreg:$0x1] =	wrdreg $0xFFFFFFFF  }
0xc3: {  	_ =	task.clear_ibuf [dreg:s7], $0x2FFFF;
	_ =	strace $0x9FFFFFFF  }
0xc4: {  	(tm) =	ssettm $0x7FFFFFFF  }
0xc5: {  	_ =	shalt  }
tec
execute0_lowered:
.L_overlay_start_1:
0x0: {  	(tag) =	ssettag $0x1  }
0x1: {  	s6 =	rddreg [dreg:$0x0]  }
0x2: {  	s5 =	rddreg [dreg:$0x1]  }
0x3: {  	s1 =	rddreg [dreg:$0x2]  }
0x4: {  	s2 =	rddreg [dreg:$0x3]  }
0x5: {  	s0 =	rddreg [dreg:$0x4]  }
0x6: {  	s4 =	simm.s32 $0x0;
	s3 =	srdreg.scid;
	s20 =	simm.s32 $0x1  }
0x7: {  	s21 =	simm.s32 $0x0;
	[smem:$0x7FF] =	sst s4;
	s7 =	sand.u32 $0x1, s3  }
0x8: {  	s3 =	stileid.u32;
	s11 =	sadd.s32 $0x1800, s5;
	s8 =	smul.u32 $0xC3500, s7  }
0x9: {  	s12 =	sadd.s32 $0xCB000, s5;
	s18 =	sadd.s32 $0xB7480, s1;
	s10 =	smul.u32 $0xC380, s3  }
0xa: {  	s19 =	sadd.s32 $0xB7480, s2;
	_ =	strace $0x8000004A;
	s14 =	smul.u32 $0x30D40, s3  }
0xb: {  	s9 =	ssub.s32 $0x2, s7;
	s16 =	sxor.u32 $0x1, s7;
	s7 =	smul.u32 $0x30D400, s7  }
0xc: {  	p0 =	seq.s32 s3, $0xF;
	s28 =	sshrl.u32 s9, $0x1;
	s16 =	smul.u32 $0x30D400, s16  }
0xd: {  	s9 =	ssub.s32 s9, s28;
	s29 =	sadd.s32 s10, s8;
	s15 =	sadd.s32 s10, s1  }
0xe: {  	s8 =	sshrl.u32 s8, $0x3;
	s17 =	sadd.s32 s10, s2;
	s30 =	sadd.s32 s7, s14  }
0xf: {  	s13 =	sshrl.u32 s29, $0x3;
	s8 =	sadd.s32 $0x16E90, s8;
	s16 =	sadd.s32 s16, s14  }
0x10: {  	s9 =	smax.u32 s9, $0x1;
	s10 =	sshrl.u32 s30, $0x3;
	s14 =	sshll.u32 @!p0 s3, $0x6  }
0x11: {  	s15 =	sshrl.u32 @!p0 s15, $0x3;
	s5 =	sadd.s32 s6, s13;
	s6 =	sadd.s32 s6, s8  }
0x12: {  	s7 =	sadd.s32 s12, s13;
	s8 =	sadd.s32 s12, s8;
	s10 =	sadd.s32 s10, s11  }
0x13: {  	s31 =	sshrl.u32 s16, $0x3;
	s12 =	sshrl.u32 @p0 s18, $0x3;
	s13 =	sshrl.u32 @p0 s19, $0x3  }
0x14: {  	s14 =	sor.u32 @!p0 $0x1C02, s14;
	s16 =	sshrl.u32 @!p0 s17, $0x3;
	s17 =	simm.s32 $0x2  }
0x15: {  	s18 =	simm.s32 $0x7D0;
	s19 =	simm.s32 $0xFA0;
	s11 =	sadd.s32 s31, s11  }
.LBB2_1:
0x16: {  	s22 =	simm.s32 @p0 $0x1FC2;
	s23 =	simm.s32 @p0 $0x2  }
0x17: {  	[spmem:s12], [sflag:s22] =	dma.local @p0 [hbm:s6], $0x1810  }
0x18: {  	_ =	swait.ge @p0 [sflag:s23], $0x1810  }
0x19: {  	[sflag:s23] =	ssyncset.done @p0 $0x0  }
0x1a: {  	[sflag:s23] =	ssyncadd.s32 @p0 $0xFFFFE7F0  }
0x1b: {  	[spmem:s13], [sflag:s22] =	dma.local @p0 [hbm:s6], $0x1810  }
0x1c: {  	_ =	swait.ge @p0 [sflag:s23], $0x1810  }
0x1d: {  	[sflag:s23] =	ssyncset.done @p0 $0x0  }
0x1e: {  	s22 =	simm.s32 @!p0 $0x2;
	[sflag:s23] =	ssyncadd.s32 @p0 $0xFFFFE7F0  }
0x1f: {  	[spmem:s15], [sflag:s14] =	dma.local @!p0 [hbm:s5], $0x1870  }
0x20: {  	_ =	swait.ge @!p0 [sflag:s22], $0x1870  }
0x21: {  	[sflag:s22] =	ssyncset.done @!p0 $0x0  }
0x22: {  	[sflag:s22] =	ssyncadd.s32 @!p0 $0xFFFFE790  }
0x23: {  	[spmem:s16], [sflag:s14] =	dma.local @!p0 [hbm:s5], $0x1870  }
0x24: {  	_ =	swait.ge @!p0 [sflag:s22], $0x1870  }
0x25: {  	[sflag:s22] =	ssyncset.done @!p0 $0x0  }
0x26: {  	[sflag:s22] =	ssyncadd.s32 @!p0 $0xFFFFE790  }
0x27: {  	s30 =	sadd.s32 $0x0, s10;
	[bflag:$0x0] =	sbarrier.arrive $0xFFFF  }
0x28: {  	[tilespmem:s4], [sflag:$0x2] =	stream.linear.gather [hbm4b:s30+s4], $0x7D0, $0x38;
	[tilespmem:$0x1D4C0] =	vst v63  }
0x29: {  	_ =	swait.ge [sflag:s17], $0x7D0  }
0x2a: {  	[sflag:s17] =	ssyncset.done $0x0  }
0x2b: {  	s31 =	sadd.s32 $0x0, s11;
	[sflag:s17] =	ssyncadd.s32 $0xFFFFF830  }
0x2c: {  	[tilespmem:s18], [sflag:$0x2] =	stream.linear.gather [hbm4b:s31+s4], $0x7D0, $0x38;
	[tilespmem:$0x1D4C0] =	vst v63  }
0x2d: {  	_ =	swait.ge [sflag:s17], $0x7D0  }
0x2e: {  	[sflag:s17] =	ssyncset.done $0x0  }
0x2f: {  	[sflag:s17] =	ssyncadd.s32 $0xFFFFF830  }
0x30: {  	[tilespmem:s19], [sflag:$0x1] =	stream.indirect.gather [spmem:s1], $0x8, s4, s18, $0xb8;
	[tilespmem:$0x1D4C0] =	vst v63  }
0x31: {  	_ =	swait.ge [sflag:s20], $0x3E80  }
0x32: {  	[sflag:s20] =	ssyncset.done $0x0  }
0x33: {  	[sflag:s20] =	ssyncadd.s32 $0xFFFFC180  }
0x34: {  	[spmem:s2] =	stream.indirect.scatter.add.f32 [tilespmem:s19], [sflag:$0x2], $0x8, s18, s18, $0xb8;
	[tilespmem:$0x1D4C0] =	vst v63  }
0x35: {  	_ =	swait.ge [sflag:s17], $0x3E80  }
0x36: {  	s23 =	simm.s32 $0x1F4;
	s22 =	simm.s32 $0xFA;
	[sflag:s17] =	ssyncset.done $0x0  }
.LBB2_2:
0x37: {  	s24 =	sadd.s32 s22, s10  }
0x38: {  	[sflag:s17] =	ssyncadd.s32 $0xFFFFC180;
	s25 =	smov.u32 s23;
	s26 =	sadd.s32 $0xFA, s23  }
0x39: {  	[tilespmem:s4], [sflag:$0x2] =	stream.linear.gather [hbm4b:s24+s4], $0x7D0, $0x38;
	[tilespmem:$0x1D4C0] =	vst v63  }
0x3a: {  	p1 =	sne.s32 s23, $0x60AE;
	_ =	swait.ge [sflag:s17], $0x7D0  }
0x3b: {  	[sflag:s17] =	ssyncset.done $0x0  }
0x3c: {  	s23 =	sadd.s32 s22, s11;
	s22 =	smov.u32 s25;
	[sflag:s17] =	ssyncadd.s32 $0xFFFFF830  }
0x3d: {  	[tilespmem:s18], [sflag:$0x2] =	stream.linear.gather [hbm4b:s23+s4], $0x7D0, $0x38;
	[tilespmem:$0x1D4C0] =	vst v63  }
0x3e: {  	_ =	swait.ge [sflag:s17], $0x7D0  }
0x3f: {  	[sflag:s17] =	ssyncset.done $0x0  }
0x40: {  	[sflag:s17] =	ssyncadd.s32 $0xFFFFF830  }
0x41: {  	[tilespmem:s19], [sflag:$0x1] =	stream.indirect.gather [spmem:s1], $0x8, s4, s18, $0xb8;
	[tilespmem:$0x1D4C0] =	vst v63  }
0x42: {  	_ =	swait.ge [sflag:s20], $0x3E80  }
.Ltmp0:
0x43: {  	[sflag:s20] =	ssyncset.done $0x0;
	(pc) =	sbr.rel @p1 .LBB2_2-.Ltmp0, $4  }
0x44: {  	[sflag:s20] =	ssyncadd.s32 $0xFFFFC180  }
0x45: {  	[spmem:s2] =	stream.indirect.scatter.add.f32 [tilespmem:s19], [sflag:$0x2], $0x8, s18, s18, $0xb8;
	[tilespmem:$0x1D4C0] =	vst v63  }
0x46: {  	_ =	swait.ge [sflag:s17], $0x3E80  }
0x47: {  	s23 =	smov.u32 s26;
	[sflag:s17] =	ssyncset.done $0x0  }
0x48: {  	s23 =	sadd.s32 s22, s10;
	[sflag:s17] =	ssyncadd.s32 $0xFFFFC180  }
0x49: {  	[tilespmem:s4], [sflag:$0x2] =	stream.linear.gather [hbm4b:s23+s4], $0x7D0, $0x38;
	[tilespmem:$0x1D4C0] =	vst v63  }
0x4a: {  	_ =	swait.ge [sflag:s17], $0x7D0  }
0x4b: {  	[sflag:s17] =	ssyncset.done $0x0  }
0x4c: {  	s31 =	sadd.s32 s22, s11;
	[sflag:s17] =	ssyncadd.s32 $0xFFFFF830  }
0x4d: {  	[tilespmem:s18], [sflag:$0x2] =	stream.linear.gather [hbm4b:s31+s4], $0x7D0, $0x38;
	[tilespmem:$0x1D4C0] =	vst v63  }
0x4e: {  	_ =	swait.ge [sflag:s17], $0x7D0  }
0x4f: {  	[sflag:s17] =	ssyncset.done $0x0  }
0x50: {  	[sflag:s17] =	ssyncadd.s32 $0xFFFFF830  }
0x51: {  	[tilespmem:s19], [sflag:$0x1] =	stream.indirect.gather [spmem:s1], $0x8, s4, s18, $0xb8;
	[tilespmem:$0x1D4C0] =	vst v63  }
0x52: {  	_ =	swait.ge [sflag:s20], $0x3E80  }
0x53: {  	[sflag:s20] =	ssyncset.done $0x0  }
0x54: {  	[sflag:s20] =	ssyncadd.s32 $0xFFFFC180  }
0x55: {  	[spmem:s2] =	stream.indirect.scatter.add.f32 [tilespmem:s19], [sflag:$0x2], $0x8, s18, s18, $0xb8;
	[tilespmem:$0x1D4C0] =	vst v63  }
0x56: {  	_ =	swait.ge [sflag:s17], $0x3E80  }
0x57: {  	[sflag:s17] =	ssyncset.done $0x0  }
0x58: {  	[sflag:s17] =	ssyncadd.s32 $0xFFFFC180  }
0x59: {  	s22 =	simm.s32 @p0 $0x1FC2;
	[bflag:$0x0] =	sbarrier.arrive $0xFFFF  }
0x5a: {  	[hbm:s8], [sflag:s22] =	dma.local @p0 [spmem:s13], $0x1810  }
0x5b: {  	s22 =	simm.s32 @p0 $0x2  }
0x5c: {  	s21 =	sadd.s32 $0x1, s21;
	_ =	swait.ge @p0 [sflag:s22], $0x1810  }
0x5d: {  	p1 =	sne.s32 s21, s9;
	[sflag:s22] =	ssyncset.done @p0 $0x0  }
.Ltmp1:
0x5e: {  	[sflag:s22] =	ssyncadd.s32 @p0 $0xFFFFE7F0;
	s22 =	simm.s32 @!p0 $0x2;
	(pc) =	sbr.rel @p1 .LBB2_1-.Ltmp1, $4  }
0x5f: {  	[hbm:s7], [sflag:s14] =	dma.local @!p0 [spmem:s16], $0x1870  }
0x60: {  	_ =	swait.ge @!p0 [sflag:s22], $0x1870  }
0x61: {  	[sflag:s22] =	ssyncset.done @!p0 $0x0  }
0x62: {  	[sflag:s22] =	ssyncadd.s32 @!p0 $0xFFFFE790  }
0x63: {  	_ =	sfence.sel $0x180000  }
0x64: {  	[bflag:$0x0] =	sbarrier.arrive $0xFFFF  }
0x65: {  	p0 =	sne.s32 s3, $0x0;
	_ =	strace $0x9000004A  }
0x66: {  	s0 =	sadd.s32 @!p0 $0x100000, s0;
	[bflag:$0x2] =	sbarrier.arrive $0xFFFF  }
0x67: {  	[sflag:s0] =	ssyncadd.tile.s32 @!p0 $0x1;
	_ =	shalt  }
.Lfunc_end2:
_tile_overlayer_lowered:
.L_overlay_start_2:
0x68: {  	(tag) =	ssettag $0x2  }
0x69: {  	s0 =	rddreg [dreg:$0x0];
	s2 =	stileid.u32  }
0x6a: {  	s1 =	rddreg [dreg:$0x1];
	p0 =	sne.s32 s2, $0x0  }
0x6b: {  	s3 =	rddreg [dreg:$0x2];
	[bflag:$0x3] =	sbarrier.arrive $0xFFFF;
	s2 =	simm.s32 @!p0 $0x1C02  }
0x6c: {  	[timem:s3], [sflag:s2] =	dma.local @!p0 [hbm:s0], s1  }
0x6d: {  	s0 =	simm.s32 @!p0 $0x2  }
0x6e: {  	_ =	swait.ge @!p0 [sflag:s0], s1  }
0x6f: {  	s1 =	ssub.s32 @!p0 $0x0, s1;
	[sflag:s0] =	ssyncset.done @!p0 $0x0  }
0x70: {  	[sflag:s0] =	ssyncadd.s32 @!p0 s1  }
0x71: {  	[bflag:$0x3] =	sbarrier.arrive $0xFFFF  }
0x72: {  	_ =	shalt  }

</sc_bundles>
